<compile_context>
chip_gen: v7x
topology: tpu7x:2x2x1
jax: 0.10.2.dev20260603
libtpu: 0.0.44.dev20260713+nightly
codegen_flags: <defaults>
</compile_context>

<pallas_src>
import functools

import jax
import jax.numpy as jnp
from jax import lax
from jax.experimental import pallas as pl
from jax.experimental.pallas import tpu as pltpu
from jax.experimental.pallas import tpu_sc as plsc

N_NODES = 10000
N_HYEDGES = 10000
E = 320000
D = 128
N_TARGET = 16

NC = 2
NS = 16
NW = NC * NS
EPW = E // NW
CH = 80
NCHUNK = EPW // CH

NPAD = 10240
ROWS_PER_TILE = NPAD // NS

CW = 128

_mesh = plsc.VectorSubcoreMesh(core_axis_name="c", subcore_axis_name="s")


@functools.partial(
    pl.kernel,
    out_type=jax.ShapeDtypeStruct((NC * NPAD, D), jnp.float32),
    mesh=_mesh,
    scratch_types=[
        pltpu.VMEM((CH,), jnp.int32),
        pltpu.VMEM((CH,), jnp.int32),
        pltpu.VMEM((CH, D), jnp.float32),
        pltpu.VMEM_SHARED((NPAD, D), jnp.float32),
        pltpu.SemaphoreType.DMA,
    ],
)
def _sc_seg_sum(table, src, dst, zeros, out, idx_s, idx_d, rows, acc, sem):
    c = lax.axis_index("c")
    s = lax.axis_index("s")
    wid = c * NS + s
    base = wid * EPW

    row0 = s * ROWS_PER_TILE
    pltpu.sync_copy(zeros, acc.at[pl.ds(row0, ROWS_PER_TILE)])
    plsc.subcore_barrier()

    def body(g, carry):
        off = base + g * CH
        pltpu.sync_copy(src.at[pl.ds(off, CH)], idx_s)
        pltpu.sync_copy(dst.at[pl.ds(off, CH)], idx_d)
        pltpu.async_copy(table.at[idx_s], rows, sem).wait()
        pltpu.sync_copy(rows, acc.at[idx_d], add=True)
        return carry

    lax.fori_loop(0, NCHUNK, body, 0)

    plsc.subcore_barrier()
    pltpu.sync_copy(acc.at[pl.ds(row0, ROWS_PER_TILE)],
                    out.at[pl.ds(c * NPAD + row0, ROWS_PER_TILE)])


EPT_CNT = E // NS
NCHUNK_CNT = EPT_CNT // CH


@functools.partial(
    pl.kernel,
    out_type=jax.ShapeDtypeStruct((NC * NPAD, CW), jnp.float32),
    mesh=_mesh,
    scratch_types=[
        pltpu.VMEM((CH,), jnp.int32),
        pltpu.VMEM((CH, CW), jnp.float32),
        pltpu.VMEM_SHARED((NPAD, CW), jnp.float32),
    ],
)
def _sc_counts(hflat, ones, zeros, out, idx_d, ones_v, cnt):
    c = lax.axis_index("c")
    s = lax.axis_index("s")

    row0 = s * ROWS_PER_TILE
    pltpu.sync_copy(zeros, cnt.at[pl.ds(row0, ROWS_PER_TILE)])
    pltpu.sync_copy(ones, ones_v)
    plsc.subcore_barrier()

    base = c * E + s * EPT_CNT

    def body(g, carry):
        off = base + g * CH
        pltpu.sync_copy(hflat.at[pl.ds(off, CH)], idx_d)
        pltpu.sync_copy(ones_v, cnt.at[idx_d], add=True)
        return carry

    lax.fori_loop(0, NCHUNK_CNT, body, 0)

    plsc.subcore_barrier()
    pltpu.sync_copy(cnt.at[pl.ds(row0, ROWS_PER_TILE)],
                    out.at[pl.ds(c * NPAD + row0, ROWS_PER_TILE)])


BR = 1000
GRID = N_NODES // BR


def _mm_body(x_ref, w_ref, o_ref):
    o_ref[...] = jnp.dot(x_ref[...], w_ref[...],
                         preferred_element_type=jnp.float32)


def _tc_matmul(x, w):
    return pl.pallas_call(
        _mm_body,
        grid=(GRID,),
        in_specs=[pl.BlockSpec((BR, D), lambda i: (i, 0)),
                  pl.BlockSpec((D, D), lambda i: (0, 0))],
        out_specs=pl.BlockSpec((BR, D), lambda i: (i, 0)),
        out_shape=jax.ShapeDtypeStruct((N_NODES, D), jnp.float32),
    )(x, w)


def _comb_body(p0_ref, p1_ref, cnt_ref, o_ref):
    den = jnp.maximum(cnt_ref[...][:, :1], 1.0)
    o_ref[...] = (p0_ref[...] + p1_ref[...]) / den


def _tc_combine(p0, p1, cnt):
    return pl.pallas_call(
        _comb_body,
        grid=(GRID,),
        in_specs=[pl.BlockSpec((BR, D), lambda i: (i, 0)),
                  pl.BlockSpec((BR, D), lambda i: (i, 0)),
                  pl.BlockSpec((BR, CW), lambda i: (i, 0))],
        out_specs=pl.BlockSpec((BR, D), lambda i: (i, 0)),
        out_shape=jax.ShapeDtypeStruct((N_NODES, D), jnp.float32),
    )(p0, p1, cnt)


def _leaky(x):
    return jnp.where(x >= 0, x, 0.01 * x)


def _comb_mm_body(p0_ref, p1_ref, cnt_ref, b_ref, w_ref, o_ref):
    den = jnp.maximum(cnt_ref[...][:, :1], 1.0)
    h = _leaky((p0_ref[...] + p1_ref[...]) / den + b_ref[...])
    o_ref[...] = jnp.dot(h, w_ref[...], preferred_element_type=jnp.float32)


def _tc_combine_matmul(p0, p1, cnt, b, w):
    return pl.pallas_call(
        _comb_mm_body,
        grid=(GRID,),
        in_specs=[pl.BlockSpec((BR, D), lambda i: (i, 0)),
                  pl.BlockSpec((BR, D), lambda i: (i, 0)),
                  pl.BlockSpec((BR, CW), lambda i: (i, 0)),
                  pl.BlockSpec((1, D), lambda i: (0, 0)),
                  pl.BlockSpec((D, D), lambda i: (0, 0))],
        out_specs=pl.BlockSpec((BR, D), lambda i: (i, 0)),
        out_shape=jax.ShapeDtypeStruct((N_NODES, D), jnp.float32),
    )(p0, p1, cnt, b, w)


def _final_body(p0_ref, p1_ref, cnt_ref, b_ref, wf_ref, bf_ref,
                feats_ref, fp_ref, out_ref):
    i = pl.program_id(0)
    den = jnp.maximum(cnt_ref[...][:, :1], 1.0)
    h = _leaky((p0_ref[...] + p1_ref[...]) / den + b_ref[...])
    feats_ref[...] = h
    part = jnp.sum(h, axis=0, keepdims=True)

    @pl.when(i == 0)
    def _():
        fp_ref[...] = jnp.zeros_like(fp_ref)
        out_ref[...] = jnp.zeros_like(out_ref)

    fp_ref[...] += part

    @pl.when(i == GRID - 1)
    def _():
        fp = fp_ref[...] / float(N_NODES)
        fp_ref[...] = fp
        logits = jnp.dot(fp, wf_ref[...],
                         preferred_element_type=jnp.float32) + bf_ref[...]
        out_ref[...] = 1.0 / (1.0 + jnp.exp(-logits))


def _tc_final(p0, p1, cnt, b, wf, bf):
    return pl.pallas_call(
        _final_body,
        grid=(GRID,),
        in_specs=[pl.BlockSpec((BR, D), lambda i: (i, 0)),
                  pl.BlockSpec((BR, D), lambda i: (i, 0)),
                  pl.BlockSpec((BR, CW), lambda i: (i, 0)),
                  pl.BlockSpec((1, D), lambda i: (0, 0)),
                  pl.BlockSpec((D, N_TARGET), lambda i: (0, 0)),
                  pl.BlockSpec((1, N_TARGET), lambda i: (0, 0))],
        out_specs=[pl.BlockSpec((BR, D), lambda i: (i, 0)),
                   pl.BlockSpec((1, D), lambda i: (0, 0)),
                   pl.BlockSpec((1, N_TARGET), lambda i: (0, 0))],
        out_shape=[jax.ShapeDtypeStruct((N_NODES, D), jnp.float32),
                   jax.ShapeDtypeStruct((1, D), jnp.float32),
                   jax.ShapeDtypeStruct((1, N_TARGET), jnp.float32)],
    )(p0, p1, cnt, b, wf, bf)


def kernel(x, H, W1, b1, W2, b2, Wf, bf):
    node_idx = H[0]
    hyedge_idx = H[1]
    zeros_d = jnp.zeros((ROWS_PER_TILE, D), jnp.float32)
    ones_c = jnp.ones((CH, CW), jnp.float32)

    counts = _sc_counts(H.reshape(2 * E), ones_c, zeros_d)
    dv = counts[:N_NODES]
    de = counts[NPAD:NPAD + N_NODES]

    y1 = _tc_matmul(x, W1)
    ep = _sc_seg_sum(y1, node_idx, hyedge_idx, zeros_d)
    e1 = _tc_combine(ep[:N_NODES], ep[NPAD:NPAD + N_NODES], de)
    np_ = _sc_seg_sum(e1, hyedge_idx, node_idx, zeros_d)
    y2 = _tc_combine_matmul(np_[:N_NODES], np_[NPAD:NPAD + N_NODES], dv,
                            b1.reshape(1, D), W2)
    ep2 = _sc_seg_sum(y2, node_idx, hyedge_idx, zeros_d)
    e2 = _tc_combine(ep2[:N_NODES], ep2[NPAD:NPAD + N_NODES], de)
    np2 = _sc_seg_sum(e2, hyedge_idx, node_idx, zeros_d)
    feats, fp, out = _tc_final(np2[:N_NODES], np2[NPAD:NPAD + N_NODES], dv,
                               b2.reshape(1, D), Wf, bf.reshape(1, N_TARGET))
    return (out.reshape(N_TARGET), feats, fp)

# --- scband reference (transcript-rebuilt; emitter-appended) ---
"""Pipeline reference for scband-hgrdp-max-10754598109742 (READ-ONLY COPY).

The authoritative reference and input builder live on the scoring server;
editing this copy changes nothing except your own understanding.
"""

import jax, jax.numpy as jnp
import numpy as np

N_NODES = 10000
N_HYEDGES = 10000
E = 320000
D = 128
N_TARGET = 16


def leaky_relu(x, slope=0.01):
    return jnp.where(x >= 0, x, slope * x)


def hyconv(x, node_idx, hyedge_idx, W, b):
    # Standard hypergraph convolution: linear transform, then
    # node -> hyperedge mean aggregation, then hyperedge -> node mean aggregation.
    x = x @ W
    De = jnp.maximum(jnp.bincount(hyedge_idx, length=N_HYEDGES), 1).astype(x.dtype)
    Dv = jnp.maximum(jnp.bincount(node_idx, length=N_NODES), 1).astype(x.dtype)
    e_feat = jax.ops.segment_sum(x[node_idx], hyedge_idx, num_segments=N_HYEDGES) / De[:, None]
    n_feat = jax.ops.segment_sum(e_feat[hyedge_idx], node_idx, num_segments=N_NODES) / Dv[:, None]
    return n_feat + b


def setup_inputs(seed: int = 0) -> dict:
    key = jax.random.key(seed)
    ks = jax.random.split(key, 9)
    x = jax.random.normal(ks[0], (N_NODES, D), dtype=jnp.float32)
    H = jax.random.randint(ks[1], (2, E), 0, N_NODES, dtype=jnp.int32)
    s = 1.0 / np.sqrt(D)
    W1 = jax.random.uniform(ks[2], (D, D), jnp.float32, -s, s)
    b1 = jax.random.uniform(ks[3], (D,), jnp.float32, -s, s)
    W2 = jax.random.uniform(ks[4], (D, D), jnp.float32, -s, s)
    b2 = jax.random.uniform(ks[5], (D,), jnp.float32, -s, s)
    Wf = jax.random.uniform(ks[6], (D, N_TARGET), jnp.float32, -s, s)
    bf = jax.random.uniform(ks[7], (N_TARGET,), jnp.float32, -s, s)
    return {"x": x, "H": H, "W1": W1, "b1": b1, "W2": W2, "b2": b2, "Wf": Wf, "bf": bf}


def reference(x, H, W1, b1, W2, b2, Wf, bf):
    node_idx = H[0]
    hyedge_idx = H[1]
    # hyconv stack (eval mode: dropout p=0.0 is identity, DropMax inactive)
    h = hyconv(x, node_idx, hyedge_idx, W1, b1)
    h = leaky_relu(h)
    h = hyconv(h, node_idx, hyedge_idx, W2, b2)
    h = leaky_relu(h)
    feats = h
    # sensitive='attribute' -> pooling_dim=0, pooling_strategy='mean'
    pooled = feats.mean(axis=0)
    feats_pool = pooled[None, :]
    logits = feats_pool @ Wf + bf
    out = jax.nn.sigmoid(logits[0])
    return (out, feats, feats_pool)

if __name__ == "__main__":
    import jax
    _d = setup_inputs()
    print(jax.jit(kernel)(*tuple(_d.values())))

</pallas_src>

<mosaic_0001>
#map = affine_map<(d0, d1) -> (0)>
#map1 = affine_map<(d0, d1) -> (0, 0)>
module attributes {stable_mosaic.version = 14 : i64} {
  func.func @_sc_counts(%arg0: i32, %arg1: i32, %arg2: memref<640000xi32, #tpu.memory_space<hbm>>, %arg3: memref<80x128xf32, #tpu.memory_space<hbm>>, %arg4: memref<640x128xf32, #tpu.memory_space<hbm>>, %arg5: memref<20480x128xf32, #tpu.memory_space<hbm>>, %arg6: memref<80xi32, #tpu.memory_space<vmem>>, %arg7: memref<80x128xf32, #tpu.memory_space<vmem>>, %arg8: memref<10240x128xf32, #tpu.memory_space<vmem_shared>>) attributes {dimension_semantics = [#tpu.dimension_semantics<core_parallel>, #tpu.dimension_semantics<subcore_parallel>], iteration_bounds = array<i64: 2, 16>, scalar_prefetch = 0 : i64, scratch_operands = 3 : i64, tpu.core_type = #tpu.core_type<sc_vector_subcore>, window_params = [{transform_indices = #map}, {transform_indices = #map1}, {transform_indices = #map1}, {transform_indices = #map1}]} {
    %mul3A = arith.constant 640 : i32
    %mul3A_0 = arith.muli %arg1, %mul3A : i32
    "tpu.region"() ({
      %run_scoped3A = tpu.sem_alloc : memref<!tpu.dma_semaphore, #tpu.memory_space<semaphore_mem>>
      %dma_start3A = arith.constant 0 : i32
      %dma_start3A_14 = tpu.memref_slice %arg8[%mul3A_0, %dma_start3A] : memref<10240x128xf32, #tpu.memory_space<vmem_shared>> -> memref<640x128xf32, #tpu.memory_space<vmem_shared>>
      tpu.enqueue_dma source(%arg4 : memref<640x128xf32, #tpu.memory_space<hbm>>) target(%dma_start3A_14 : memref<640x128xf32, #tpu.memory_space<vmem_shared>>) target_semaphore(%run_scoped3A : memref<!tpu.dma_semaphore, #tpu.memory_space<semaphore_mem>>)
      %dma_wait3A = arith.constant 0 : i32
      %dma_wait3A_15 = tpu.memref_slice %arg8[%mul3A_0, %dma_wait3A] : memref<10240x128xf32, #tpu.memory_space<vmem_shared>> -> memref<640x128xf32, #tpu.memory_space<vmem_shared>>
      tpu.wait_dma2 semaphore(%run_scoped3A : memref<!tpu.dma_semaphore, #tpu.memory_space<semaphore_mem>>) src(%arg4 : memref<640x128xf32, #tpu.memory_space<hbm>>) dst(%dma_wait3A_15 : memref<640x128xf32, #tpu.memory_space<vmem_shared>>)
      tpu.yield
    }) : () -> ()
    "tpu.region"() ({
      %run_scoped3A = tpu.sem_alloc : memref<!tpu.dma_semaphore, #tpu.memory_space<semaphore_mem>>
      tpu.enqueue_dma source(%arg3 : memref<80x128xf32, #tpu.memory_space<hbm>>) target(%arg7 : memref<80x128xf32, #tpu.memory_space<vmem>>) target_semaphore(%run_scoped3A : memref<!tpu.dma_semaphore, #tpu.memory_space<semaphore_mem>>)
      tpu.wait_dma2 semaphore(%run_scoped3A : memref<!tpu.dma_semaphore, #tpu.memory_space<semaphore_mem>>) src(%arg3 : memref<80x128xf32, #tpu.memory_space<hbm>>) dst(%arg7 : memref<80x128xf32, #tpu.memory_space<vmem>>)
      tpu.yield
    }) : () -> ()
    %barrier3A = arith.constant 0 : index
    tpu.barrier barrier_id(%barrier3A)
    %mul3A_1 = arith.constant 320000 : i32
    %mul3A_2 = arith.muli %arg0, %mul3A_1 : i32
    %mul3A_3 = arith.constant 20000 : i32
    %mul3A_4 = arith.muli %arg1, %mul3A_3 : i32
    %add3A = arith.addi %mul3A_2, %mul3A_4 : i32
    %scan3A = arith.constant 0 : i32
    %scan3A_5 = arith.constant 0 : i32
    %scan3A_6 = arith.constant 250 : i32
    %scan3A_7 = arith.addi %scan3A_5, %scan3A_6 : i32
    %scan3A_8 = arith.constant 1 : i32
    scf.for %scan3A_14 = %scan3A_5 to %scan3A_7 step %scan3A_8  : i32 {
      %mul3A_15 = arith.constant 80 : i32
      %mul3A_16 = arith.muli %scan3A_14, %mul3A_15 : i32
      %add3A_17 = arith.addi %add3A, %mul3A_16 : i32
      "tpu.region"() ({
        %run_scoped3A = tpu.sem_alloc : memref<!tpu.dma_semaphore, #tpu.memory_space<semaphore_mem>>
        %dma_start3A = tpu.memref_slice %arg2[%add3A_17] : memref<640000xi32, #tpu.memory_space<hbm>> -> memref<80xi32, #tpu.memory_space<hbm>>
        %dma_start3A_18 = tpu.memref_slice %arg2[%add3A_17] : memref<640000xi32, #tpu.memory_space<hbm>> -> memref<80xi32, #tpu.memory_space<hbm>>
        tpu.enqueue_dma source(%dma_start3A_18 : memref<80xi32, #tpu.memory_space<hbm>>) target(%arg6 : memref<80xi32, #tpu.memory_space<vmem>>) target_semaphore(%run_scoped3A : memref<!tpu.dma_semaphore, #tpu.memory_space<semaphore_mem>>)
        %dma_wait3A = tpu.memref_slice %arg2[%add3A_17] : memref<640000xi32, #tpu.memory_space<hbm>> -> memref<80xi32, #tpu.memory_space<hbm>>
        %dma_wait3A_19 = tpu.memref_slice %arg2[%add3A_17] : memref<640000xi32, #tpu.memory_space<hbm>> -> memref<80xi32, #tpu.memory_space<hbm>>
        tpu.wait_dma2 semaphore(%run_scoped3A : memref<!tpu.dma_semaphore, #tpu.memory_space<semaphore_mem>>) src(%dma_wait3A_19 : memref<80xi32, #tpu.memory_space<hbm>>) dst(%arg6 : memref<80xi32, #tpu.memory_space<vmem>>)
        tpu.yield
      }) : () -> ()
      "tpu.region"() ({
        %run_scoped3A = tpu.sem_alloc : memref<!tpu.dma_semaphore, #tpu.memory_space<semaphore_mem>>
        %dma_start3A = arith.constant 0 : i32
        %dma_start3A_18 = arith.constant 0 : i32
        %dma_start3A_19 = tpu.memref_slice %arg8[%dma_start3A, %dma_start3A_18] : memref<10240x128xf32, #tpu.memory_space<vmem_shared>> -> memref<10240x128xf32, #tpu.memory_space<vmem_shared>>
        tpu.enqueue_indirect_dma source(%arg7 : memref<80x128xf32, #tpu.memory_space<vmem>>) target(%dma_start3A_19 : memref<10240x128xf32, #tpu.memory_space<vmem_shared>>) offsets(%arg6 : memref<80xi32, #tpu.memory_space<vmem>>) semaphore(%run_scoped3A : memref<!tpu.dma_semaphore, #tpu.memory_space<semaphore_mem>>) {add = true}
        %dma_wait3A = arith.constant 0 : i32
        %dma_wait3A_20 = arith.constant 0 : i32
        %dma_wait3A_21 = tpu.memref_slice %arg8[%dma_wait3A, %dma_wait3A_20] : memref<10240x128xf32, #tpu.memory_space<vmem_shared>> -> memref<10240x128xf32, #tpu.memory_space<vmem_shared>>
        tpu.wait_indirect_dma semaphore(%run_scoped3A : memref<!tpu.dma_semaphore, #tpu.memory_space<semaphore_mem>>) src(%arg7 : memref<80x128xf32, #tpu.memory_space<vmem>>) dst(%dma_wait3A_21 : memref<10240x128xf32, #tpu.memory_space<vmem_shared>>)
        tpu.yield
      }) : () -> ()
    }
    %scan3A_9 = arith.constant 250 : i32
    %barrier3A_10 = arith.constant 0 : index
    tpu.barrier barrier_id(%barrier3A_10)
    %mul3A_11 = arith.constant 10240 : i32
    %mul3A_12 = arith.muli %arg0, %mul3A_11 : i32
    %add3A_13 = arith.addi %mul3A_12, %mul3A_0 : i32
    "tpu.region"() ({
      %run_scoped3A = tpu.sem_alloc : memref<!tpu.dma_semaphore, #tpu.memory_space<semaphore_mem>>
      %dma_start3A = arith.constant 0 : i32
      %dma_start3A_14 = tpu.memref_slice %arg5[%add3A_13, %dma_start3A] : memref<20480x128xf32, #tpu.memory_space<hbm>> -> memref<640x128xf32, #tpu.memory_space<hbm>>
      %dma_start3A_15 = arith.constant 0 : i32
      %dma_start3A_16 = tpu.memref_slice %arg8[%mul3A_0, %dma_start3A_15] : memref<10240x128xf32, #tpu.memory_space<vmem_shared>> -> memref<640x128xf32, #tpu.memory_space<vmem_shared>>
      tpu.enqueue_dma source(%dma_start3A_16 : memref<640x128xf32, #tpu.memory_space<vmem_shared>>) target(%dma_start3A_14 : memref<640x128xf32, #tpu.memory_space<hbm>>) target_semaphore(%run_scoped3A : memref<!tpu.dma_semaphore, #tpu.memory_space<semaphore_mem>>)
      %dma_wait3A = arith.constant 0 : i32
      %dma_wait3A_17 = tpu.memref_slice %arg5[%add3A_13, %dma_wait3A] : memref<20480x128xf32, #tpu.memory_space<hbm>> -> memref<640x128xf32, #tpu.memory_space<hbm>>
      %dma_wait3A_18 = arith.constant 0 : i32
      %dma_wait3A_19 = tpu.memref_slice %arg8[%mul3A_0, %dma_wait3A_18] : memref<10240x128xf32, #tpu.memory_space<vmem_shared>> -> memref<640x128xf32, #tpu.memory_space<vmem_shared>>
      tpu.wait_dma2 semaphore(%run_scoped3A : memref<!tpu.dma_semaphore, #tpu.memory_space<semaphore_mem>>) src(%dma_wait3A_19 : memref<640x128xf32, #tpu.memory_space<vmem_shared>>) dst(%dma_wait3A_17 : memref<640x128xf32, #tpu.memory_space<hbm>>)
      tpu.yield
    }) : () -> ()
    return
  }
}

#map = affine_map<(d0, d1) -> (0, 0)>
#map1 = affine_map<(d0, d1) -> (0)>
module attributes {stable_mosaic.version = 14 : i64} {
  func.func @_sc_seg_sum(%arg0: i32, %arg1: i32, %arg2: memref<10000x128xf32, #tpu.memory_space<hbm>>, %arg3: memref<320000xi32, #tpu.memory_space<hbm>>, %arg4: memref<320000xi32, #tpu.memory_space<hbm>>, %arg5: memref<640x128xf32, #tpu.memory_space<hbm>>, %arg6: memref<20480x128xf32, #tpu.memory_space<hbm>>, %arg7: memref<80xi32, #tpu.memory_space<vmem>>, %arg8: memref<80xi32, #tpu.memory_space<vmem>>, %arg9: memref<80x128xf32, #tpu.memory_space<vmem>>, %arg10: memref<10240x128xf32, #tpu.memory_space<vmem_shared>>, %arg11: memref<!tpu.dma_semaphore, #tpu.memory_space<semaphore_mem>>) attributes {dimension_semantics = [#tpu.dimension_semantics<core_parallel>, #tpu.dimension_semantics<subcore_parallel>], iteration_bounds = array<i64: 2, 16>, scalar_prefetch = 0 : i64, scratch_operands = 5 : i64, tpu.core_type = #tpu.core_type<sc_vector_subcore>, window_params = [{transform_indices = #map}, {transform_indices = #map1}, {transform_indices = #map1}, {transform_indices = #map}, {transform_indices = #map}]} {
    %mul3A = arith.constant 16 : i32
    %mul3A_0 = arith.muli %arg0, %mul3A : i32
    %add3A = arith.addi %mul3A_0, %arg1 : i32
    %mul3A_1 = arith.constant 10000 : i32
    %mul3A_2 = arith.muli %add3A, %mul3A_1 : i32
    %mul3A_3 = arith.constant 640 : i32
    %mul3A_4 = arith.muli %arg1, %mul3A_3 : i32
    "tpu.region"() ({
      %run_scoped3A = tpu.sem_alloc : memref<!tpu.dma_semaphore, #tpu.memory_space<semaphore_mem>>
      %dma_start3A = arith.constant 0 : i32
      %dma_start3A_14 = tpu.memref_slice %arg10[%mul3A_4, %dma_start3A] : memref<10240x128xf32, #tpu.memory_space<vmem_shared>> -> memref<640x128xf32, #tpu.memory_space<vmem_shared>>
      tpu.enqueue_dma source(%arg5 : memref<640x128xf32, #tpu.memory_space<hbm>>) target(%dma_start3A_14 : memref<640x128xf32, #tpu.memory_space<vmem_shared>>) target_semaphore(%run_scoped3A : memref<!tpu.dma_semaphore, #tpu.memory_space<semaphore_mem>>)
      %dma_wait3A = arith.constant 0 : i32
      %dma_wait3A_15 = tpu.memref_slice %arg10[%mul3A_4, %dma_wait3A] : memref<10240x128xf32, #tpu.memory_space<vmem_shared>> -> memref<640x128xf32, #tpu.memory_space<vmem_shared>>
      tpu.wait_dma2 semaphore(%run_scoped3A : memref<!tpu.dma_semaphore, #tpu.memory_space<semaphore_mem>>) src(%arg5 : memref<640x128xf32, #tpu.memory_space<hbm>>) dst(%dma_wait3A_15 : memref<640x128xf32, #tpu.memory_space<vmem_shared>>)
      tpu.yield
    }) : () -> ()
    %barrier3A = arith.constant 0 : index
    tpu.barrier barrier_id(%barrier3A)
    %scan3A = arith.constant 0 : i32
    %scan3A_5 = arith.constant 0 : i32
    %scan3A_6 = arith.constant 125 : i32
    %scan3A_7 = arith.addi %scan3A_5, %scan3A_6 : i32
    %scan3A_8 = arith.constant 1 : i32
    scf.for %scan3A_14 = %scan3A_5 to %scan3A_7 step %scan3A_8  : i32 {
      %mul3A_15 = arith.constant 80 : i32
      %mul3A_16 = arith.muli %scan3A_14, %mul3A_15 : i32
      %add3A_17 = arith.addi %mul3A_2, %mul3A_16 : i32
      "tpu.region"() ({
        %run_scoped3A = tpu.sem_alloc : memref<!tpu.dma_semaphore, #tpu.memory_space<semaphore_mem>>
        %dma_start3A_22 = tpu.memref_slice %arg3[%add3A_17] : memref<320000xi32, #tpu.memory_space<hbm>> -> memref<80xi32, #tpu.memory_space<hbm>>
        %dma_start3A_23 = tpu.memref_slice %arg3[%add3A_17] : memref<320000xi32, #tpu.memory_space<hbm>> -> memref<80xi32, #tpu.memory_space<hbm>>
        tpu.enqueue_dma source(%dma_start3A_23 : memref<80xi32, #tpu.memory_space<hbm>>) target(%arg7 : memref<80xi32, #tpu.memory_space<vmem>>) target_semaphore(%run_scoped3A : memref<!tpu.dma_semaphore, #tpu.memory_space<semaphore_mem>>)
        %dma_wait3A_24 = tpu.memref_slice %arg3[%add3A_17] : memref<320000xi32, #tpu.memory_space<hbm>> -> memref<80xi32, #tpu.memory_space<hbm>>
        %dma_wait3A_25 = tpu.memref_slice %arg3[%add3A_17] : memref<320000xi32, #tpu.memory_space<hbm>> -> memref<80xi32, #tpu.memory_space<hbm>>
        tpu.wait_dma2 semaphore(%run_scoped3A : memref<!tpu.dma_semaphore, #tpu.memory_space<semaphore_mem>>) src(%dma_wait3A_25 : memref<80xi32, #tpu.memory_space<hbm>>) dst(%arg7 : memref<80xi32, #tpu.memory_space<vmem>>)
        tpu.yield
      }) : () -> ()
      "tpu.region"() ({
        %run_scoped3A = tpu.sem_alloc : memref<!tpu.dma_semaphore, #tpu.memory_space<semaphore_mem>>
        %dma_start3A_22 = tpu.memref_slice %arg4[%add3A_17] : memref<320000xi32, #tpu.memory_space<hbm>> -> memref<80xi32, #tpu.memory_space<hbm>>
        %dma_start3A_23 = tpu.memref_slice %arg4[%add3A_17] : memref<320000xi32, #tpu.memory_space<hbm>> -> memref<80xi32, #tpu.memory_space<hbm>>
        tpu.enqueue_dma source(%dma_start3A_23 : memref<80xi32, #tpu.memory_space<hbm>>) target(%arg8 : memref<80xi32, #tpu.memory_space<vmem>>) target_semaphore(%run_scoped3A : memref<!tpu.dma_semaphore, #tpu.memory_space<semaphore_mem>>)
        %dma_wait3A_24 = tpu.memref_slice %arg4[%add3A_17] : memref<320000xi32, #tpu.memory_space<hbm>> -> memref<80xi32, #tpu.memory_space<hbm>>
        %dma_wait3A_25 = tpu.memref_slice %arg4[%add3A_17] : memref<320000xi32, #tpu.memory_space<hbm>> -> memref<80xi32, #tpu.memory_space<hbm>>
        tpu.wait_dma2 semaphore(%run_scoped3A : memref<!tpu.dma_semaphore, #tpu.memory_space<semaphore_mem>>) src(%dma_wait3A_25 : memref<80xi32, #tpu.memory_space<hbm>>) dst(%arg8 : memref<80xi32, #tpu.memory_space<vmem>>)
        tpu.yield
      }) : () -> ()
      %dma_start3A = arith.constant 0 : i32
      %dma_start3A_18 = arith.constant 0 : i32
      %dma_start3A_19 = tpu.memref_slice %arg2[%dma_start3A, %dma_start3A_18] : memref<10000x128xf32, #tpu.memory_space<hbm>> -> memref<10000x128xf32, #tpu.memory_space<hbm>>
      tpu.enqueue_indirect_dma source(%dma_start3A_19 : memref<10000x128xf32, #tpu.memory_space<hbm>>) target(%arg9 : memref<80x128xf32, #tpu.memory_space<vmem>>) offsets(%arg7 : memref<80xi32, #tpu.memory_space<vmem>>) semaphore(%arg11 : memref<!tpu.dma_semaphore, #tpu.memory_space<semaphore_mem>>)
      %dma_wait3A = arith.constant 0 : i32
      %dma_wait3A_20 = arith.constant 0 : i32
      %dma_wait3A_21 = tpu.memref_slice %arg2[%dma_wait3A, %dma_wait3A_20] : memref<10000x128xf32, #tpu.memory_space<hbm>> -> memref<10000x128xf32, #tpu.memory_space<hbm>>
      tpu.wait_indirect_dma semaphore(%arg11 : memref<!tpu.dma_semaphore, #tpu.memory_space<semaphore_mem>>) src(%dma_wait3A_21 : memref<10000x128xf32, #tpu.memory_space<hbm>>) dst(%arg9 : memref<80x128xf32, #tpu.memory_space<vmem>>)
      "tpu.region"() ({
        %run_scoped3A = tpu.sem_alloc : memref<!tpu.dma_semaphore, #tpu.memory_space<semaphore_mem>>
        %dma_start3A_22 = arith.constant 0 : i32
        %dma_start3A_23 = arith.constant 0 : i32
        %dma_start3A_24 = tpu.memref_slice %arg10[%dma_start3A_22, %dma_start3A_23] : memref<10240x128xf32, #tpu.memory_space<vmem_shared>> -> memref<10240x128xf32, #tpu.memory_space<vmem_shared>>
        tpu.enqueue_indirect_dma source(%arg9 : memref<80x128xf32, #tpu.memory_space<vmem>>) target(%dma_start3A_24 : memref<10240x128xf32, #tpu.memory_space<vmem_shared>>) offsets(%arg8 : memref<80xi32, #tpu.memory_space<vmem>>) semaphore(%run_scoped3A : memref<!tpu.dma_semaphore, #tpu.memory_space<semaphore_mem>>) {add = true}
        %dma_wait3A_25 = arith.constant 0 : i32
        %dma_wait3A_26 = arith.constant 0 : i32
        %dma_wait3A_27 = tpu.memref_slice %arg10[%dma_wait3A_25, %dma_wait3A_26] : memref<10240x128xf32, #tpu.memory_space<vmem_shared>> -> memref<10240x128xf32, #tpu.memory_space<vmem_shared>>
        tpu.wait_indirect_dma semaphore(%run_scoped3A : memref<!tpu.dma_semaphore, #tpu.memory_space<semaphore_mem>>) src(%arg9 : memref<80x128xf32, #tpu.memory_space<vmem>>) dst(%dma_wait3A_27 : memref<10240x128xf32, #tpu.memory_space<vmem_shared>>)
        tpu.yield
      }) : () -> ()
    }
    %scan3A_9 = arith.constant 125 : i32
    %barrier3A_10 = arith.constant 0 : index
    tpu.barrier barrier_id(%barrier3A_10)
    %mul3A_11 = arith.constant 10240 : i32
    %mul3A_12 = arith.muli %arg0, %mul3A_11 : i32
    %add3A_13 = arith.addi %mul3A_12, %mul3A_4 : i32
    "tpu.region"() ({
      %run_scoped3A = tpu.sem_alloc : memref<!tpu.dma_semaphore, #tpu.memory_space<semaphore_mem>>
      %dma_start3A = arith.constant 0 : i32
      %dma_start3A_14 = tpu.memref_slice %arg6[%add3A_13, %dma_start3A] : memref<20480x128xf32, #tpu.memory_space<hbm>> -> memref<640x128xf32, #tpu.memory_space<hbm>>
      %dma_start3A_15 = arith.constant 0 : i32
      %dma_start3A_16 = tpu.memref_slice %arg10[%mul3A_4, %dma_start3A_15] : memref<10240x128xf32, #tpu.memory_space<vmem_shared>> -> memref<640x128xf32, #tpu.memory_space<vmem_shared>>
      tpu.enqueue_dma source(%dma_start3A_16 : memref<640x128xf32, #tpu.memory_space<vmem_shared>>) target(%dma_start3A_14 : memref<640x128xf32, #tpu.memory_space<hbm>>) target_semaphore(%run_scoped3A : memref<!tpu.dma_semaphore, #tpu.memory_space<semaphore_mem>>)
      %dma_wait3A = arith.constant 0 : i32
      %dma_wait3A_17 = tpu.memref_slice %arg6[%add3A_13, %dma_wait3A] : memref<20480x128xf32, #tpu.memory_space<hbm>> -> memref<640x128xf32, #tpu.memory_space<hbm>>
      %dma_wait3A_18 = arith.constant 0 : i32
      %dma_wait3A_19 = tpu.memref_slice %arg10[%mul3A_4, %dma_wait3A_18] : memref<10240x128xf32, #tpu.memory_space<vmem_shared>> -> memref<640x128xf32, #tpu.memory_space<vmem_shared>>
      tpu.wait_dma2 semaphore(%run_scoped3A : memref<!tpu.dma_semaphore, #tpu.memory_space<semaphore_mem>>) src(%dma_wait3A_19 : memref<640x128xf32, #tpu.memory_space<vmem_shared>>) dst(%dma_wait3A_17 : memref<640x128xf32, #tpu.memory_space<hbm>>)
      tpu.yield
    }) : () -> ()
    return
  }
}

#map = affine_map<(d0, d1) -> (0, 0)>
#map1 = affine_map<(d0, d1) -> (0)>
module attributes {stable_mosaic.version = 14 : i64} {
  func.func @_sc_seg_sum(%arg0: i32, %arg1: i32, %arg2: memref<10000x128xf32, #tpu.memory_space<hbm>>, %arg3: memref<320000xi32, #tpu.memory_space<hbm>>, %arg4: memref<320000xi32, #tpu.memory_space<hbm>>, %arg5: memref<640x128xf32, #tpu.memory_space<hbm>>, %arg6: memref<20480x128xf32, #tpu.memory_space<hbm>>, %arg7: memref<80xi32, #tpu.memory_space<vmem>>, %arg8: memref<80xi32, #tpu.memory_space<vmem>>, %arg9: memref<80x128xf32, #tpu.memory_space<vmem>>, %arg10: memref<10240x128xf32, #tpu.memory_space<vmem_shared>>, %arg11: memref<!tpu.dma_semaphore, #tpu.memory_space<semaphore_mem>>) attributes {dimension_semantics = [#tpu.dimension_semantics<core_parallel>, #tpu.dimension_semantics<subcore_parallel>], iteration_bounds = array<i64: 2, 16>, scalar_prefetch = 0 : i64, scratch_operands = 5 : i64, tpu.core_type = #tpu.core_type<sc_vector_subcore>, window_params = [{transform_indices = #map}, {transform_indices = #map1}, {transform_indices = #map1}, {transform_indices = #map}, {transform_indices = #map}]} {
    %mul3A = arith.constant 16 : i32
    %mul3A_0 = arith.muli %arg0, %mul3A : i32
    %add3A = arith.addi %mul3A_0, %arg1 : i32
    %mul3A_1 = arith.constant 10000 : i32
    %mul3A_2 = arith.muli %add3A, %mul3A_1 : i32
    %mul3A_3 = arith.constant 640 : i32
    %mul3A_4 = arith.muli %arg1, %mul3A_3 : i32
    "tpu.region"() ({
      %run_scoped3A = tpu.sem_alloc : memref<!tpu.dma_semaphore, #tpu.memory_space<semaphore_mem>>
      %dma_start3A = arith.constant 0 : i32
      %dma_start3A_14 = tpu.memref_slice %arg10[%mul3A_4, %dma_start3A] : memref<10240x128xf32, #tpu.memory_space<vmem_shared>> -> memref<640x128xf32, #tpu.memory_space<vmem_shared>>
      tpu.enqueue_dma source(%arg5 : memref<640x128xf32, #tpu.memory_space<hbm>>) target(%dma_start3A_14 : memref<640x128xf32, #tpu.memory_space<vmem_shared>>) target_semaphore(%run_scoped3A : memref<!tpu.dma_semaphore, #tpu.memory_space<semaphore_mem>>)
      %dma_wait3A = arith.constant 0 : i32
      %dma_wait3A_15 = tpu.memref_slice %arg10[%mul3A_4, %dma_wait3A] : memref<10240x128xf32, #tpu.memory_space<vmem_shared>> -> memref<640x128xf32, #tpu.memory_space<vmem_shared>>
      tpu.wait_dma2 semaphore(%run_scoped3A : memref<!tpu.dma_semaphore, #tpu.memory_space<semaphore_mem>>) src(%arg5 : memref<640x128xf32, #tpu.memory_space<hbm>>) dst(%dma_wait3A_15 : memref<640x128xf32, #tpu.memory_space<vmem_shared>>)
      tpu.yield
    }) : () -> ()
    %barrier3A = arith.constant 0 : index
    tpu.barrier barrier_id(%barrier3A)
    %scan3A = arith.constant 0 : i32
    %scan3A_5 = arith.constant 0 : i32
    %scan3A_6 = arith.constant 125 : i32
    %scan3A_7 = arith.addi %scan3A_5, %scan3A_6 : i32
    %scan3A_8 = arith.constant 1 : i32
    scf.for %scan3A_14 = %scan3A_5 to %scan3A_7 step %scan3A_8  : i32 {
      %mul3A_15 = arith.constant 80 : i32
      %mul3A_16 = arith.muli %scan3A_14, %mul3A_15 : i32
      %add3A_17 = arith.addi %mul3A_2, %mul3A_16 : i32
      "tpu.region"() ({
        %run_scoped3A = tpu.sem_alloc : memref<!tpu.dma_semaphore, #tpu.memory_space<semaphore_mem>>
        %dma_start3A_22 = tpu.memref_slice %arg3[%add3A_17] : memref<320000xi32, #tpu.memory_space<hbm>> -> memref<80xi32, #tpu.memory_space<hbm>>
        %dma_start3A_23 = tpu.memref_slice %arg3[%add3A_17] : memref<320000xi32, #tpu.memory_space<hbm>> -> memref<80xi32, #tpu.memory_space<hbm>>
        tpu.enqueue_dma source(%dma_start3A_23 : memref<80xi32, #tpu.memory_space<hbm>>) target(%arg7 : memref<80xi32, #tpu.memory_space<vmem>>) target_semaphore(%run_scoped3A : memref<!tpu.dma_semaphore, #tpu.memory_space<semaphore_mem>>)
        %dma_wait3A_24 = tpu.memref_slice %arg3[%add3A_17] : memref<320000xi32, #tpu.memory_space<hbm>> -> memref<80xi32, #tpu.memory_space<hbm>>
        %dma_wait3A_25 = tpu.memref_slice %arg3[%add3A_17] : memref<320000xi32, #tpu.memory_space<hbm>> -> memref<80xi32, #tpu.memory_space<hbm>>
        tpu.wait_dma2 semaphore(%run_scoped3A : memref<!tpu.dma_semaphore, #tpu.memory_space<semaphore_mem>>) src(%dma_wait3A_25 : memref<80xi32, #tpu.memory_space<hbm>>) dst(%arg7 : memref<80xi32, #tpu.memory_space<vmem>>)
        tpu.yield
      }) : () -> ()
      "tpu.region"() ({
        %run_scoped3A = tpu.sem_alloc : memref<!tpu.dma_semaphore, #tpu.memory_space<semaphore_mem>>
        %dma_start3A_22 = tpu.memref_slice %arg4[%add3A_17] : memref<320000xi32, #tpu.memory_space<hbm>> -> memref<80xi32, #tpu.memory_space<hbm>>
        %dma_start3A_23 = tpu.memref_slice %arg4[%add3A_17] : memref<320000xi32, #tpu.memory_space<hbm>> -> memref<80xi32, #tpu.memory_space<hbm>>
        tpu.enqueue_dma source(%dma_start3A_23 : memref<80xi32, #tpu.memory_space<hbm>>) target(%arg8 : memref<80xi32, #tpu.memory_space<vmem>>) target_semaphore(%run_scoped3A : memref<!tpu.dma_semaphore, #tpu.memory_space<semaphore_mem>>)
        %dma_wait3A_24 = tpu.memref_slice %arg4[%add3A_17] : memref<320000xi32, #tpu.memory_space<hbm>> -> memref<80xi32, #tpu.memory_space<hbm>>
        %dma_wait3A_25 = tpu.memref_slice %arg4[%add3A_17] : memref<320000xi32, #tpu.memory_space<hbm>> -> memref<80xi32, #tpu.memory_space<hbm>>
        tpu.wait_dma2 semaphore(%run_scoped3A : memref<!tpu.dma_semaphore, #tpu.memory_space<semaphore_mem>>) src(%dma_wait3A_25 : memref<80xi32, #tpu.memory_space<hbm>>) dst(%arg8 : memref<80xi32, #tpu.memory_space<vmem>>)
        tpu.yield
      }) : () -> ()
      %dma_start3A = arith.constant 0 : i32
      %dma_start3A_18 = arith.constant 0 : i32
      %dma_start3A_19 = tpu.memref_slice %arg2[%dma_start3A, %dma_start3A_18] : memref<10000x128xf32, #tpu.memory_space<hbm>> -> memref<10000x128xf32, #tpu.memory_space<hbm>>
      tpu.enqueue_indirect_dma source(%dma_start3A_19 : memref<10000x128xf32, #tpu.memory_space<hbm>>) target(%arg9 : memref<80x128xf32, #tpu.memory_space<vmem>>) offsets(%arg7 : memref<80xi32, #tpu.memory_space<vmem>>) semaphore(%arg11 : memref<!tpu.dma_semaphore, #tpu.memory_space<semaphore_mem>>)
      %dma_wait3A = arith.constant 0 : i32
      %dma_wait3A_20 = arith.constant 0 : i32
      %dma_wait3A_21 = tpu.memref_slice %arg2[%dma_wait3A, %dma_wait3A_20] : memref<10000x128xf32, #tpu.memory_space<hbm>> -> memref<10000x128xf32, #tpu.memory_space<hbm>>
      tpu.wait_indirect_dma semaphore(%arg11 : memref<!tpu.dma_semaphore, #tpu.memory_space<semaphore_mem>>) src(%dma_wait3A_21 : memref<10000x128xf32, #tpu.memory_space<hbm>>) dst(%arg9 : memref<80x128xf32, #tpu.memory_space<vmem>>)
      "tpu.region"() ({
        %run_scoped3A = tpu.sem_alloc : memref<!tpu.dma_semaphore, #tpu.memory_space<semaphore_mem>>
        %dma_start3A_22 = arith.constant 0 : i32
        %dma_start3A_23 = arith.constant 0 : i32
        %dma_start3A_24 = tpu.memref_slice %arg10[%dma_start3A_22, %dma_start3A_23] : memref<10240x128xf32, #tpu.memory_space<vmem_shared>> -> memref<10240x128xf32, #tpu.memory_space<vmem_shared>>
        tpu.enqueue_indirect_dma source(%arg9 : memref<80x128xf32, #tpu.memory_space<vmem>>) target(%dma_start3A_24 : memref<10240x128xf32, #tpu.memory_space<vmem_shared>>) offsets(%arg8 : memref<80xi32, #tpu.memory_space<vmem>>) semaphore(%run_scoped3A : memref<!tpu.dma_semaphore, #tpu.memory_space<semaphore_mem>>) {add = true}
        %dma_wait3A_25 = arith.constant 0 : i32
        %dma_wait3A_26 = arith.constant 0 : i32
        %dma_wait3A_27 = tpu.memref_slice %arg10[%dma_wait3A_25, %dma_wait3A_26] : memref<10240x128xf32, #tpu.memory_space<vmem_shared>> -> memref<10240x128xf32, #tpu.memory_space<vmem_shared>>
        tpu.wait_indirect_dma semaphore(%run_scoped3A : memref<!tpu.dma_semaphore, #tpu.memory_space<semaphore_mem>>) src(%arg9 : memref<80x128xf32, #tpu.memory_space<vmem>>) dst(%dma_wait3A_27 : memref<10240x128xf32, #tpu.memory_space<vmem_shared>>)
        tpu.yield
      }) : () -> ()
    }
    %scan3A_9 = arith.constant 125 : i32
    %barrier3A_10 = arith.constant 0 : index
    tpu.barrier barrier_id(%barrier3A_10)
    %mul3A_11 = arith.constant 10240 : i32
    %mul3A_12 = arith.muli %arg0, %mul3A_11 : i32
    %add3A_13 = arith.addi %mul3A_12, %mul3A_4 : i32
    "tpu.region"() ({
      %run_scoped3A = tpu.sem_alloc : memref<!tpu.dma_semaphore, #tpu.memory_space<semaphore_mem>>
      %dma_start3A = arith.constant 0 : i32
      %dma_start3A_14 = tpu.memref_slice %arg6[%add3A_13, %dma_start3A] : memref<20480x128xf32, #tpu.memory_space<hbm>> -> memref<640x128xf32, #tpu.memory_space<hbm>>
      %dma_start3A_15 = arith.constant 0 : i32
      %dma_start3A_16 = tpu.memref_slice %arg10[%mul3A_4, %dma_start3A_15] : memref<10240x128xf32, #tpu.memory_space<vmem_shared>> -> memref<640x128xf32, #tpu.memory_space<vmem_shared>>
      tpu.enqueue_dma source(%dma_start3A_16 : memref<640x128xf32, #tpu.memory_space<vmem_shared>>) target(%dma_start3A_14 : memref<640x128xf32, #tpu.memory_space<hbm>>) target_semaphore(%run_scoped3A : memref<!tpu.dma_semaphore, #tpu.memory_space<semaphore_mem>>)
      %dma_wait3A = arith.constant 0 : i32
      %dma_wait3A_17 = tpu.memref_slice %arg6[%add3A_13, %dma_wait3A] : memref<20480x128xf32, #tpu.memory_space<hbm>> -> memref<640x128xf32, #tpu.memory_space<hbm>>
      %dma_wait3A_18 = arith.constant 0 : i32
      %dma_wait3A_19 = tpu.memref_slice %arg10[%mul3A_4, %dma_wait3A_18] : memref<10240x128xf32, #tpu.memory_space<vmem_shared>> -> memref<640x128xf32, #tpu.memory_space<vmem_shared>>
      tpu.wait_dma2 semaphore(%run_scoped3A : memref<!tpu.dma_semaphore, #tpu.memory_space<semaphore_mem>>) src(%dma_wait3A_19 : memref<640x128xf32, #tpu.memory_space<vmem_shared>>) dst(%dma_wait3A_17 : memref<640x128xf32, #tpu.memory_space<hbm>>)
      tpu.yield
    }) : () -> ()
    return
  }
}

#map = affine_map<(d0, d1) -> (0, 0)>
#map1 = affine_map<(d0, d1) -> (0)>
module attributes {stable_mosaic.version = 14 : i64} {
  func.func @_sc_seg_sum(%arg0: i32, %arg1: i32, %arg2: memref<10000x128xf32, #tpu.memory_space<hbm>>, %arg3: memref<320000xi32, #tpu.memory_space<hbm>>, %arg4: memref<320000xi32, #tpu.memory_space<hbm>>, %arg5: memref<640x128xf32, #tpu.memory_space<hbm>>, %arg6: memref<20480x128xf32, #tpu.memory_space<hbm>>, %arg7: memref<80xi32, #tpu.memory_space<vmem>>, %arg8: memref<80xi32, #tpu.memory_space<vmem>>, %arg9: memref<80x128xf32, #tpu.memory_space<vmem>>, %arg10: memref<10240x128xf32, #tpu.memory_space<vmem_shared>>, %arg11: memref<!tpu.dma_semaphore, #tpu.memory_space<semaphore_mem>>) attributes {dimension_semantics = [#tpu.dimension_semantics<core_parallel>, #tpu.dimension_semantics<subcore_parallel>], iteration_bounds = array<i64: 2, 16>, scalar_prefetch = 0 : i64, scratch_operands = 5 : i64, tpu.core_type = #tpu.core_type<sc_vector_subcore>, window_params = [{transform_indices = #map}, {transform_indices = #map1}, {transform_indices = #map1}, {transform_indices = #map}, {transform_indices = #map}]} {
    %mul3A = arith.constant 16 : i32
    %mul3A_0 = arith.muli %arg0, %mul3A : i32
    %add3A = arith.addi %mul3A_0, %arg1 : i32
    %mul3A_1 = arith.constant 10000 : i32
    %mul3A_2 = arith.muli %add3A, %mul3A_1 : i32
    %mul3A_3 = arith.constant 640 : i32
    %mul3A_4 = arith.muli %arg1, %mul3A_3 : i32
    "tpu.region"() ({
      %run_scoped3A = tpu.sem_alloc : memref<!tpu.dma_semaphore, #tpu.memory_space<semaphore_mem>>
      %dma_start3A = arith.constant 0 : i32
      %dma_start3A_14 = tpu.memref_slice %arg10[%mul3A_4, %dma_start3A] : memref<10240x128xf32, #tpu.memory_space<vmem_shared>> -> memref<640x128xf32, #tpu.memory_space<vmem_shared>>
      tpu.enqueue_dma source(%arg5 : memref<640x128xf32, #tpu.memory_space<hbm>>) target(%dma_start3A_14 : memref<640x128xf32, #tpu.memory_space<vmem_shared>>) target_semaphore(%run_scoped3A : memref<!tpu.dma_semaphore, #tpu.memory_space<semaphore_mem>>)
      %dma_wait3A = arith.constant 0 : i32
      %dma_wait3A_15 = tpu.memref_slice %arg10[%mul3A_4, %dma_wait3A] : memref<10240x128xf32, #tpu.memory_space<vmem_shared>> -> memref<640x128xf32, #tpu.memory_space<vmem_shared>>
      tpu.wait_dma2 semaphore(%run_scoped3A : memref<!tpu.dma_semaphore, #tpu.memory_space<semaphore_mem>>) src(%arg5 : memref<640x128xf32, #tpu.memory_space<hbm>>) dst(%dma_wait3A_15 : memref<640x128xf32, #tpu.memory_space<vmem_shared>>)
      tpu.yield
    }) : () -> ()
    %barrier3A = arith.constant 0 : index
    tpu.barrier barrier_id(%barrier3A)
    %scan3A = arith.constant 0 : i32
    %scan3A_5 = arith.constant 0 : i32
    %scan3A_6 = arith.constant 125 : i32
    %scan3A_7 = arith.addi %scan3A_5, %scan3A_6 : i32
    %scan3A_8 = arith.constant 1 : i32
    scf.for %scan3A_14 = %scan3A_5 to %scan3A_7 step %scan3A_8  : i32 {
      %mul3A_15 = arith.constant 80 : i32
      %mul3A_16 = arith.muli %scan3A_14, %mul3A_15 : i32
      %add3A_17 = arith.addi %mul3A_2, %mul3A_16 : i32
      "tpu.region"() ({
        %run_scoped3A = tpu.sem_alloc : memref<!tpu.dma_semaphore, #tpu.memory_space<semaphore_mem>>
        %dma_start3A_22 = tpu.memref_slice %arg3[%add3A_17] : memref<320000xi32, #tpu.memory_space<hbm>> -> memref<80xi32, #tpu.memory_space<hbm>>
        %dma_start3A_23 = tpu.memref_slice %arg3[%add3A_17] : memref<320000xi32, #tpu.memory_space<hbm>> -> memref<80xi32, #tpu.memory_space<hbm>>
        tpu.enqueue_dma source(%dma_start3A_23 : memref<80xi32, #tpu.memory_space<hbm>>) target(%arg7 : memref<80xi32, #tpu.memory_space<vmem>>) target_semaphore(%run_scoped3A : memref<!tpu.dma_semaphore, #tpu.memory_space<semaphore_mem>>)
        %dma_wait3A_24 = tpu.memref_slice %arg3[%add3A_17] : memref<320000xi32, #tpu.memory_space<hbm>> -> memref<80xi32, #tpu.memory_space<hbm>>
        %dma_wait3A_25 = tpu.memref_slice %arg3[%add3A_17] : memref<320000xi32, #tpu.memory_space<hbm>> -> memref<80xi32, #tpu.memory_space<hbm>>
        tpu.wait_dma2 semaphore(%run_scoped3A : memref<!tpu.dma_semaphore, #tpu.memory_space<semaphore_mem>>) src(%dma_wait3A_25 : memref<80xi32, #tpu.memory_space<hbm>>) dst(%arg7 : memref<80xi32, #tpu.memory_space<vmem>>)
        tpu.yield
      }) : () -> ()
      "tpu.region"() ({
        %run_scoped3A = tpu.sem_alloc : memref<!tpu.dma_semaphore, #tpu.memory_space<semaphore_mem>>
        %dma_start3A_22 = tpu.memref_slice %arg4[%add3A_17] : memref<320000xi32, #tpu.memory_space<hbm>> -> memref<80xi32, #tpu.memory_space<hbm>>
        %dma_start3A_23 = tpu.memref_slice %arg4[%add3A_17] : memref<320000xi32, #tpu.memory_space<hbm>> -> memref<80xi32, #tpu.memory_space<hbm>>
        tpu.enqueue_dma source(%dma_start3A_23 : memref<80xi32, #tpu.memory_space<hbm>>) target(%arg8 : memref<80xi32, #tpu.memory_space<vmem>>) target_semaphore(%run_scoped3A : memref<!tpu.dma_semaphore, #tpu.memory_space<semaphore_mem>>)
        %dma_wait3A_24 = tpu.memref_slice %arg4[%add3A_17] : memref<320000xi32, #tpu.memory_space<hbm>> -> memref<80xi32, #tpu.memory_space<hbm>>
        %dma_wait3A_25 = tpu.memref_slice %arg4[%add3A_17] : memref<320000xi32, #tpu.memory_space<hbm>> -> memref<80xi32, #tpu.memory_space<hbm>>
        tpu.wait_dma2 semaphore(%run_scoped3A : memref<!tpu.dma_semaphore, #tpu.memory_space<semaphore_mem>>) src(%dma_wait3A_25 : memref<80xi32, #tpu.memory_space<hbm>>) dst(%arg8 : memref<80xi32, #tpu.memory_space<vmem>>)
        tpu.yield
      }) : () -> ()
      %dma_start3A = arith.constant 0 : i32
      %dma_start3A_18 = arith.constant 0 : i32
      %dma_start3A_19 = tpu.memref_slice %arg2[%dma_start3A, %dma_start3A_18] : memref<10000x128xf32, #tpu.memory_space<hbm>> -> memref<10000x128xf32, #tpu.memory_space<hbm>>
      tpu.enqueue_indirect_dma source(%dma_start3A_19 : memref<10000x128xf32, #tpu.memory_space<hbm>>) target(%arg9 : memref<80x128xf32, #tpu.memory_space<vmem>>) offsets(%arg7 : memref<80xi32, #tpu.memory_space<vmem>>) semaphore(%arg11 : memref<!tpu.dma_semaphore, #tpu.memory_space<semaphore_mem>>)
      %dma_wait3A = arith.constant 0 : i32
      %dma_wait3A_20 = arith.constant 0 : i32
      %dma_wait3A_21 = tpu.memref_slice %arg2[%dma_wait3A, %dma_wait3A_20] : memref<10000x128xf32, #tpu.memory_space<hbm>> -> memref<10000x128xf32, #tpu.memory_space<hbm>>
      tpu.wait_indirect_dma semaphore(%arg11 : memref<!tpu.dma_semaphore, #tpu.memory_space<semaphore_mem>>) src(%dma_wait3A_21 : memref<10000x128xf32, #tpu.memory_space<hbm>>) dst(%arg9 : memref<80x128xf32, #tpu.memory_space<vmem>>)
      "tpu.region"() ({
        %run_scoped3A = tpu.sem_alloc : memref<!tpu.dma_semaphore, #tpu.memory_space<semaphore_mem>>
        %dma_start3A_22 = arith.constant 0 : i32
        %dma_start3A_23 = arith.constant 0 : i32
        %dma_start3A_24 = tpu.memref_slice %arg10[%dma_start3A_22, %dma_start3A_23] : memref<10240x128xf32, #tpu.memory_space<vmem_shared>> -> memref<10240x128xf32, #tpu.memory_space<vmem_shared>>
        tpu.enqueue_indirect_dma source(%arg9 : memref<80x128xf32, #tpu.memory_space<vmem>>) target(%dma_start3A_24 : memref<10240x128xf32, #tpu.memory_space<vmem_shared>>) offsets(%arg8 : memref<80xi32, #tpu.memory_space<vmem>>) semaphore(%run_scoped3A : memref<!tpu.dma_semaphore, #tpu.memory_space<semaphore_mem>>) {add = true}
        %dma_wait3A_25 = arith.constant 0 : i32
        %dma_wait3A_26 = arith.constant 0 : i32
        %dma_wait3A_27 = tpu.memref_slice %arg10[%dma_wait3A_25, %dma_wait3A_26] : memref<10240x128xf32, #tpu.memory_space<vmem_shared>> -> memref<10240x128xf32, #tpu.memory_space<vmem_shared>>
        tpu.wait_indirect_dma semaphore(%run_scoped3A : memref<!tpu.dma_semaphore, #tpu.memory_space<semaphore_mem>>) src(%arg9 : memref<80x128xf32, #tpu.memory_space<vmem>>) dst(%dma_wait3A_27 : memref<10240x128xf32, #tpu.memory_space<vmem_shared>>)
        tpu.yield
      }) : () -> ()
    }
    %scan3A_9 = arith.constant 125 : i32
    %barrier3A_10 = arith.constant 0 : index
    tpu.barrier barrier_id(%barrier3A_10)
    %mul3A_11 = arith.constant 10240 : i32
    %mul3A_12 = arith.muli %arg0, %mul3A_11 : i32
    %add3A_13 = arith.addi %mul3A_12, %mul3A_4 : i32
    "tpu.region"() ({
      %run_scoped3A = tpu.sem_alloc : memref<!tpu.dma_semaphore, #tpu.memory_space<semaphore_mem>>
      %dma_start3A = arith.constant 0 : i32
      %dma_start3A_14 = tpu.memref_slice %arg6[%add3A_13, %dma_start3A] : memref<20480x128xf32, #tpu.memory_space<hbm>> -> memref<640x128xf32, #tpu.memory_space<hbm>>
      %dma_start3A_15 = arith.constant 0 : i32
      %dma_start3A_16 = tpu.memref_slice %arg10[%mul3A_4, %dma_start3A_15] : memref<10240x128xf32, #tpu.memory_space<vmem_shared>> -> memref<640x128xf32, #tpu.memory_space<vmem_shared>>
      tpu.enqueue_dma source(%dma_start3A_16 : memref<640x128xf32, #tpu.memory_space<vmem_shared>>) target(%dma_start3A_14 : memref<640x128xf32, #tpu.memory_space<hbm>>) target_semaphore(%run_scoped3A : memref<!tpu.dma_semaphore, #tpu.memory_space<semaphore_mem>>)
      %dma_wait3A = arith.constant 0 : i32
      %dma_wait3A_17 = tpu.memref_slice %arg6[%add3A_13, %dma_wait3A] : memref<20480x128xf32, #tpu.memory_space<hbm>> -> memref<640x128xf32, #tpu.memory_space<hbm>>
      %dma_wait3A_18 = arith.constant 0 : i32
      %dma_wait3A_19 = tpu.memref_slice %arg10[%mul3A_4, %dma_wait3A_18] : memref<10240x128xf32, #tpu.memory_space<vmem_shared>> -> memref<640x128xf32, #tpu.memory_space<vmem_shared>>
      tpu.wait_dma2 semaphore(%run_scoped3A : memref<!tpu.dma_semaphore, #tpu.memory_space<semaphore_mem>>) src(%dma_wait3A_19 : memref<640x128xf32, #tpu.memory_space<vmem_shared>>) dst(%dma_wait3A_17 : memref<640x128xf32, #tpu.memory_space<hbm>>)
      tpu.yield
    }) : () -> ()
    return
  }
}

#map = affine_map<(d0, d1) -> (0, 0)>
#map1 = affine_map<(d0, d1) -> (0)>
module attributes {stable_mosaic.version = 14 : i64} {
  func.func @_sc_seg_sum(%arg0: i32, %arg1: i32, %arg2: memref<10000x128xf32, #tpu.memory_space<hbm>>, %arg3: memref<320000xi32, #tpu.memory_space<hbm>>, %arg4: memref<320000xi32, #tpu.memory_space<hbm>>, %arg5: memref<640x128xf32, #tpu.memory_space<hbm>>, %arg6: memref<20480x128xf32, #tpu.memory_space<hbm>>, %arg7: memref<80xi32, #tpu.memory_space<vmem>>, %arg8: memref<80xi32, #tpu.memory_space<vmem>>, %arg9: memref<80x128xf32, #tpu.memory_space<vmem>>, %arg10: memref<10240x128xf32, #tpu.memory_space<vmem_shared>>, %arg11: memref<!tpu.dma_semaphore, #tpu.memory_space<semaphore_mem>>) attributes {dimension_semantics = [#tpu.dimension_semantics<core_parallel>, #tpu.dimension_semantics<subcore_parallel>], iteration_bounds = array<i64: 2, 16>, scalar_prefetch = 0 : i64, scratch_operands = 5 : i64, tpu.core_type = #tpu.core_type<sc_vector_subcore>, window_params = [{transform_indices = #map}, {transform_indices = #map1}, {transform_indices = #map1}, {transform_indices = #map}, {transform_indices = #map}]} {
    %mul3A = arith.constant 16 : i32
    %mul3A_0 = arith.muli %arg0, %mul3A : i32
    %add3A = arith.addi %mul3A_0, %arg1 : i32
    %mul3A_1 = arith.constant 10000 : i32
    %mul3A_2 = arith.muli %add3A, %mul3A_1 : i32
    %mul3A_3 = arith.constant 640 : i32
    %mul3A_4 = arith.muli %arg1, %mul3A_3 : i32
    "tpu.region"() ({
      %run_scoped3A = tpu.sem_alloc : memref<!tpu.dma_semaphore, #tpu.memory_space<semaphore_mem>>
      %dma_start3A = arith.constant 0 : i32
      %dma_start3A_14 = tpu.memref_slice %arg10[%mul3A_4, %dma_start3A] : memref<10240x128xf32, #tpu.memory_space<vmem_shared>> -> memref<640x128xf32, #tpu.memory_space<vmem_shared>>
      tpu.enqueue_dma source(%arg5 : memref<640x128xf32, #tpu.memory_space<hbm>>) target(%dma_start3A_14 : memref<640x128xf32, #tpu.memory_space<vmem_shared>>) target_semaphore(%run_scoped3A : memref<!tpu.dma_semaphore, #tpu.memory_space<semaphore_mem>>)
      %dma_wait3A = arith.constant 0 : i32
      %dma_wait3A_15 = tpu.memref_slice %arg10[%mul3A_4, %dma_wait3A] : memref<10240x128xf32, #tpu.memory_space<vmem_shared>> -> memref<640x128xf32, #tpu.memory_space<vmem_shared>>
      tpu.wait_dma2 semaphore(%run_scoped3A : memref<!tpu.dma_semaphore, #tpu.memory_space<semaphore_mem>>) src(%arg5 : memref<640x128xf32, #tpu.memory_space<hbm>>) dst(%dma_wait3A_15 : memref<640x128xf32, #tpu.memory_space<vmem_shared>>)
      tpu.yield
    }) : () -> ()
    %barrier3A = arith.constant 0 : index
    tpu.barrier barrier_id(%barrier3A)
    %scan3A = arith.constant 0 : i32
    %scan3A_5 = arith.constant 0 : i32
    %scan3A_6 = arith.constant 125 : i32
    %scan3A_7 = arith.addi %scan3A_5, %scan3A_6 : i32
    %scan3A_8 = arith.constant 1 : i32
    scf.for %scan3A_14 = %scan3A_5 to %scan3A_7 step %scan3A_8  : i32 {
      %mul3A_15 = arith.constant 80 : i32
      %mul3A_16 = arith.muli %scan3A_14, %mul3A_15 : i32
      %add3A_17 = arith.addi %mul3A_2, %mul3A_16 : i32
      "tpu.region"() ({
        %run_scoped3A = tpu.sem_alloc : memref<!tpu.dma_semaphore, #tpu.memory_space<semaphore_mem>>
        %dma_start3A_22 = tpu.memref_slice %arg3[%add3A_17] : memref<320000xi32, #tpu.memory_space<hbm>> -> memref<80xi32, #tpu.memory_space<hbm>>
        %dma_start3A_23 = tpu.memref_slice %arg3[%add3A_17] : memref<320000xi32, #tpu.memory_space<hbm>> -> memref<80xi32, #tpu.memory_space<hbm>>
        tpu.enqueue_dma source(%dma_start3A_23 : memref<80xi32, #tpu.memory_space<hbm>>) target(%arg7 : memref<80xi32, #tpu.memory_space<vmem>>) target_semaphore(%run_scoped3A : memref<!tpu.dma_semaphore, #tpu.memory_space<semaphore_mem>>)
        %dma_wait3A_24 = tpu.memref_slice %arg3[%add3A_17] : memref<320000xi32, #tpu.memory_space<hbm>> -> memref<80xi32, #tpu.memory_space<hbm>>
        %dma_wait3A_25 = tpu.memref_slice %arg3[%add3A_17] : memref<320000xi32, #tpu.memory_space<hbm>> -> memref<80xi32, #tpu.memory_space<hbm>>
        tpu.wait_dma2 semaphore(%run_scoped3A : memref<!tpu.dma_semaphore, #tpu.memory_space<semaphore_mem>>) src(%dma_wait3A_25 : memref<80xi32, #tpu.memory_space<hbm>>) dst(%arg7 : memref<80xi32, #tpu.memory_space<vmem>>)
        tpu.yield
      }) : () -> ()
      "tpu.region"() ({
        %run_scoped3A = tpu.sem_alloc : memref<!tpu.dma_semaphore, #tpu.memory_space<semaphore_mem>>
        %dma_start3A_22 = tpu.memref_slice %arg4[%add3A_17] : memref<320000xi32, #tpu.memory_space<hbm>> -> memref<80xi32, #tpu.memory_space<hbm>>
        %dma_start3A_23 = tpu.memref_slice %arg4[%add3A_17] : memref<320000xi32, #tpu.memory_space<hbm>> -> memref<80xi32, #tpu.memory_space<hbm>>
        tpu.enqueue_dma source(%dma_start3A_23 : memref<80xi32, #tpu.memory_space<hbm>>) target(%arg8 : memref<80xi32, #tpu.memory_space<vmem>>) target_semaphore(%run_scoped3A : memref<!tpu.dma_semaphore, #tpu.memory_space<semaphore_mem>>)
        %dma_wait3A_24 = tpu.memref_slice %arg4[%add3A_17] : memref<320000xi32, #tpu.memory_space<hbm>> -> memref<80xi32, #tpu.memory_space<hbm>>
        %dma_wait3A_25 = tpu.memref_slice %arg4[%add3A_17] : memref<320000xi32, #tpu.memory_space<hbm>> -> memref<80xi32, #tpu.memory_space<hbm>>
        tpu.wait_dma2 semaphore(%run_scoped3A : memref<!tpu.dma_semaphore, #tpu.memory_space<semaphore_mem>>) src(%dma_wait3A_25 : memref<80xi32, #tpu.memory_space<hbm>>) dst(%arg8 : memref<80xi32, #tpu.memory_space<vmem>>)
        tpu.yield
      }) : () -> ()
      %dma_start3A = arith.constant 0 : i32
      %dma_start3A_18 = arith.constant 0 : i32
      %dma_start3A_19 = tpu.memref_slice %arg2[%dma_start3A, %dma_start3A_18] : memref<10000x128xf32, #tpu.memory_space<hbm>> -> memref<10000x128xf32, #tpu.memory_space<hbm>>
      tpu.enqueue_indirect_dma source(%dma_start3A_19 : memref<10000x128xf32, #tpu.memory_space<hbm>>) target(%arg9 : memref<80x128xf32, #tpu.memory_space<vmem>>) offsets(%arg7 : memref<80xi32, #tpu.memory_space<vmem>>) semaphore(%arg11 : memref<!tpu.dma_semaphore, #tpu.memory_space<semaphore_mem>>)
      %dma_wait3A = arith.constant 0 : i32
      %dma_wait3A_20 = arith.constant 0 : i32
      %dma_wait3A_21 = tpu.memref_slice %arg2[%dma_wait3A, %dma_wait3A_20] : memref<10000x128xf32, #tpu.memory_space<hbm>> -> memref<10000x128xf32, #tpu.memory_space<hbm>>
      tpu.wait_indirect_dma semaphore(%arg11 : memref<!tpu.dma_semaphore, #tpu.memory_space<semaphore_mem>>) src(%dma_wait3A_21 : memref<10000x128xf32, #tpu.memory_space<hbm>>) dst(%arg9 : memref<80x128xf32, #tpu.memory_space<vmem>>)
      "tpu.region"() ({
        %run_scoped3A = tpu.sem_alloc : memref<!tpu.dma_semaphore, #tpu.memory_space<semaphore_mem>>
        %dma_start3A_22 = arith.constant 0 : i32
        %dma_start3A_23 = arith.constant 0 : i32
        %dma_start3A_24 = tpu.memref_slice %arg10[%dma_start3A_22, %dma_start3A_23] : memref<10240x128xf32, #tpu.memory_space<vmem_shared>> -> memref<10240x128xf32, #tpu.memory_space<vmem_shared>>
        tpu.enqueue_indirect_dma source(%arg9 : memref<80x128xf32, #tpu.memory_space<vmem>>) target(%dma_start3A_24 : memref<10240x128xf32, #tpu.memory_space<vmem_shared>>) offsets(%arg8 : memref<80xi32, #tpu.memory_space<vmem>>) semaphore(%run_scoped3A : memref<!tpu.dma_semaphore, #tpu.memory_space<semaphore_mem>>) {add = true}
        %dma_wait3A_25 = arith.constant 0 : i32
        %dma_wait3A_26 = arith.constant 0 : i32
        %dma_wait3A_27 = tpu.memref_slice %arg10[%dma_wait3A_25, %dma_wait3A_26] : memref<10240x128xf32, #tpu.memory_space<vmem_shared>> -> memref<10240x128xf32, #tpu.memory_space<vmem_shared>>
        tpu.wait_indirect_dma semaphore(%run_scoped3A : memref<!tpu.dma_semaphore, #tpu.memory_space<semaphore_mem>>) src(%arg9 : memref<80x128xf32, #tpu.memory_space<vmem>>) dst(%dma_wait3A_27 : memref<10240x128xf32, #tpu.memory_space<vmem_shared>>)
        tpu.yield
      }) : () -> ()
    }
    %scan3A_9 = arith.constant 125 : i32
    %barrier3A_10 = arith.constant 0 : index
    tpu.barrier barrier_id(%barrier3A_10)
    %mul3A_11 = arith.constant 10240 : i32
    %mul3A_12 = arith.muli %arg0, %mul3A_11 : i32
    %add3A_13 = arith.addi %mul3A_12, %mul3A_4 : i32
    "tpu.region"() ({
      %run_scoped3A = tpu.sem_alloc : memref<!tpu.dma_semaphore, #tpu.memory_space<semaphore_mem>>
      %dma_start3A = arith.constant 0 : i32
      %dma_start3A_14 = tpu.memref_slice %arg6[%add3A_13, %dma_start3A] : memref<20480x128xf32, #tpu.memory_space<hbm>> -> memref<640x128xf32, #tpu.memory_space<hbm>>
      %dma_start3A_15 = arith.constant 0 : i32
      %dma_start3A_16 = tpu.memref_slice %arg10[%mul3A_4, %dma_start3A_15] : memref<10240x128xf32, #tpu.memory_space<vmem_shared>> -> memref<640x128xf32, #tpu.memory_space<vmem_shared>>
      tpu.enqueue_dma source(%dma_start3A_16 : memref<640x128xf32, #tpu.memory_space<vmem_shared>>) target(%dma_start3A_14 : memref<640x128xf32, #tpu.memory_space<hbm>>) target_semaphore(%run_scoped3A : memref<!tpu.dma_semaphore, #tpu.memory_space<semaphore_mem>>)
      %dma_wait3A = arith.constant 0 : i32
      %dma_wait3A_17 = tpu.memref_slice %arg6[%add3A_13, %dma_wait3A] : memref<20480x128xf32, #tpu.memory_space<hbm>> -> memref<640x128xf32, #tpu.memory_space<hbm>>
      %dma_wait3A_18 = arith.constant 0 : i32
      %dma_wait3A_19 = tpu.memref_slice %arg10[%mul3A_4, %dma_wait3A_18] : memref<10240x128xf32, #tpu.memory_space<vmem_shared>> -> memref<640x128xf32, #tpu.memory_space<vmem_shared>>
      tpu.wait_dma2 semaphore(%run_scoped3A : memref<!tpu.dma_semaphore, #tpu.memory_space<semaphore_mem>>) src(%dma_wait3A_19 : memref<640x128xf32, #tpu.memory_space<vmem_shared>>) dst(%dma_wait3A_17 : memref<640x128xf32, #tpu.memory_space<hbm>>)
      tpu.yield
    }) : () -> ()
    return
  }
}

module attributes {stable_mosaic.version = 14 : i64} {
  func.func @_mm_body(%arg0: i32, %arg1: memref<1000x128xf32, #tpu.memory_space<vmem>>, %arg2: memref<128x128xf32, #tpu.memory_space<vmem>>, %arg3: memref<1000x128xf32, #tpu.memory_space<vmem>>) attributes {dimension_semantics = [#tpu.dimension_semantics<arbitrary>], iteration_bounds = array<i64: 10>, scalar_prefetch = 0 : i64, scratch_operands = 0 : i64, tpu.core_type = #tpu.core_type<tc>, window_params = [{transform_indices = @transform_0, window_bounds = array<i64: 1000, 128>}, {pipeline_mode = #tpu.pipeline_mode<synchronous>, transform_indices = @transform_1, window_bounds = array<i64: 128, 128>}, {transform_indices = @transform_2, window_bounds = array<i64: 1000, 128>}]} {
    %get3A = arith.constant 0 : index
    %get3A_0 = arith.constant 0 : index
    %get3A_1 = vector.load %arg1[%get3A, %get3A_0] : memref<1000x128xf32, #tpu.memory_space<vmem>>, vector<1000x128xf32>
    %get3A_2 = arith.constant 0 : index
    %get3A_3 = arith.constant 0 : index
    %get3A_4 = vector.load %arg2[%get3A_2, %get3A_3] : memref<128x128xf32, #tpu.memory_space<vmem>>, vector<128x128xf32>
    %dot_general3A = arith.constant dense<0.000000e+00> : vector<1000x128xf32>
    %dot_general3A_5 = tpu.matmul %get3A_1, %get3A_4, %dot_general3A {dimension_numbers = #tpu.dot_dimension_numbers<[1], [0], [0], [1], [0, 0, 1, 1], [], []>, transpose_lhs_hint = false} : vector<1000x128xf32>, vector<128x128xf32>, vector<1000x128xf32> -> vector<1000x128xf32>
    %swap3A = arith.constant 0 : index
    %swap3A_6 = arith.constant 0 : index
    %swap3A_7 = vector.load %arg3[%swap3A, %swap3A_6] : memref<1000x128xf32, #tpu.memory_space<vmem>>, vector<1000x128xf32>
    tpu.vector_store %arg3[%swap3A, %swap3A_6], %dot_general3A_5 {strides = array<i32>} : memref<1000x128xf32, #tpu.memory_space<vmem>>, vector<1000x128xf32>,
    return
  }
  func.func @transform_0(%arg0: i32) -> (i32, i32) {
    %c0_i32 = arith.constant 0 : i32
    %c0_i32_0 = arith.constant 0 : i32
    return %arg0, %c0_i32 : i32, i32
  }
  func.func @transform_1(%arg0: i32) -> (i32, i32) {
    %c0_i32 = arith.constant 0 : i32
    %c0_i32_0 = arith.constant 0 : i32
    %c0_i32_1 = arith.constant 0 : i32
    return %c0_i32, %c0_i32_0 : i32, i32
  }
  func.func @transform_2(%arg0: i32) -> (i32, i32) {
    %c0_i32 = arith.constant 0 : i32
    %c0_i32_0 = arith.constant 0 : i32
    return %arg0, %c0_i32 : i32, i32
  }
}

module attributes {stable_mosaic.version = 14 : i64} {
  func.func @_comb_body(%arg0: i32, %arg1: memref<1000x128xf32, #tpu.memory_space<vmem>>, %arg2: memref<1000x128xf32, #tpu.memory_space<vmem>>, %arg3: memref<1000x128xf32, #tpu.memory_space<vmem>>, %arg4: memref<1000x128xf32, #tpu.memory_space<vmem>>) attributes {dimension_semantics = [#tpu.dimension_semantics<arbitrary>], iteration_bounds = array<i64: 10>, scalar_prefetch = 0 : i64, scratch_operands = 0 : i64, tpu.core_type = #tpu.core_type<tc>, window_params = [{transform_indices = @transform_0, window_bounds = array<i64: 1000, 128>}, {transform_indices = @transform_1, window_bounds = array<i64: 1000, 128>}, {transform_indices = @transform_2, window_bounds = array<i64: 1000, 128>}, {transform_indices = @transform_3, window_bounds = array<i64: 1000, 128>}]} {
    %get3A = arith.constant 0 : index
    %get3A_0 = arith.constant 0 : index
    %get3A_1 = vector.load %arg3[%get3A, %get3A_0] : memref<1000x128xf32, #tpu.memory_space<vmem>>, vector<1000x128xf32>
    %slice3A = vector.extract_strided_slice %get3A_1 {offsets = [0, 0], sizes = [1000, 1], strides = [1, 1]} : vector<1000x128xf32> to vector<1000x1xf32>
    %max3A = arith.constant 1.000000e+00 : f32
    %max3A_2 = vector.broadcast %max3A : f32 to vector<1000x1xf32>
    %max3A_3 = arith.maximumf %slice3A, %max3A_2 : vector<1000x1xf32>
    %get3A_4 = arith.constant 0 : index
    %get3A_5 = arith.constant 0 : index
    %get3A_6 = vector.load %arg1[%get3A_4, %get3A_5] : memref<1000x128xf32, #tpu.memory_space<vmem>>, vector<1000x128xf32>
    %get3A_7 = arith.constant 0 : index
    %get3A_8 = arith.constant 0 : index
    %get3A_9 = vector.load %arg2[%get3A_7, %get3A_8] : memref<1000x128xf32, #tpu.memory_space<vmem>>, vector<1000x128xf32>
    %add3A = arith.addf %get3A_6, %get3A_9 : vector<1000x128xf32>
    %div3A = vector.broadcast %max3A_3 : vector<1000x1xf32> to vector<1000x128xf32>
    %div3A_10 = arith.divf %add3A, %div3A : vector<1000x128xf32>
    %swap3A = arith.constant 0 : index
    %swap3A_11 = arith.constant 0 : index
    %swap3A_12 = vector.load %arg4[%swap3A, %swap3A_11] : memref<1000x128xf32, #tpu.memory_space<vmem>>, vector<1000x128xf32>
    tpu.vector_store %arg4[%swap3A, %swap3A_11], %div3A_10 {strides = array<i32>} : memref<1000x128xf32, #tpu.memory_space<vmem>>, vector<1000x128xf32>,
    return
  }
  func.func @transform_0(%arg0: i32) -> (i32, i32) {
    %c0_i32 = arith.constant 0 : i32
    %c0_i32_0 = arith.constant 0 : i32
    return %arg0, %c0_i32 : i32, i32
  }
  func.func @transform_1(%arg0: i32) -> (i32, i32) {
    %c0_i32 = arith.constant 0 : i32
    %c0_i32_0 = arith.constant 0 : i32
    return %arg0, %c0_i32 : i32, i32
  }
  func.func @transform_2(%arg0: i32) -> (i32, i32) {
    %c0_i32 = arith.constant 0 : i32
    %c0_i32_0 = arith.constant 0 : i32
    return %arg0, %c0_i32 : i32, i32
  }
  func.func @transform_3(%arg0: i32) -> (i32, i32) {
    %c0_i32 = arith.constant 0 : i32
    %c0_i32_0 = arith.constant 0 : i32
    return %arg0, %c0_i32 : i32, i32
  }
}

module attributes {stable_mosaic.version = 14 : i64} {
  func.func @_comb_mm_body(%arg0: i32, %arg1: memref<1000x128xf32, #tpu.memory_space<vmem>>, %arg2: memref<1000x128xf32, #tpu.memory_space<vmem>>, %arg3: memref<1000x128xf32, #tpu.memory_space<vmem>>, %arg4: memref<1x128xf32, #tpu.memory_space<vmem>>, %arg5: memref<128x128xf32, #tpu.memory_space<vmem>>, %arg6: memref<1000x128xf32, #tpu.memory_space<vmem>>) attributes {dimension_semantics = [#tpu.dimension_semantics<arbitrary>], iteration_bounds = array<i64: 10>, scalar_prefetch = 0 : i64, scratch_operands = 0 : i64, tpu.core_type = #tpu.core_type<tc>, window_params = [{transform_indices = @transform_0, window_bounds = array<i64: 1000, 128>}, {transform_indices = @transform_1, window_bounds = array<i64: 1000, 128>}, {transform_indices = @transform_2, window_bounds = array<i64: 1000, 128>}, {pipeline_mode = #tpu.pipeline_mode<synchronous>, transform_indices = @transform_3, window_bounds = array<i64: 1, 128>}, {pipeline_mode = #tpu.pipeline_mode<synchronous>, transform_indices = @transform_4, window_bounds = array<i64: 128, 128>}, {transform_indices = @transform_5, window_bounds = array<i64: 1000, 128>}]} {
    %get3A = arith.constant 0 : index
    %get3A_0 = arith.constant 0 : index
    %get3A_1 = vector.load %arg3[%get3A, %get3A_0] : memref<1000x128xf32, #tpu.memory_space<vmem>>, vector<1000x128xf32>
    %slice3A = vector.extract_strided_slice %get3A_1 {offsets = [0, 0], sizes = [1000, 1], strides = [1, 1]} : vector<1000x128xf32> to vector<1000x1xf32>
    %max3A = arith.constant 1.000000e+00 : f32
    %max3A_2 = vector.broadcast %max3A : f32 to vector<1000x1xf32>
    %max3A_3 = arith.maximumf %slice3A, %max3A_2 : vector<1000x1xf32>
    %get3A_4 = arith.constant 0 : index
    %get3A_5 = arith.constant 0 : index
    %get3A_6 = vector.load %arg1[%get3A_4, %get3A_5] : memref<1000x128xf32, #tpu.memory_space<vmem>>, vector<1000x128xf32>
    %get3A_7 = arith.constant 0 : index
    %get3A_8 = arith.constant 0 : index
    %get3A_9 = vector.load %arg2[%get3A_7, %get3A_8] : memref<1000x128xf32, #tpu.memory_space<vmem>>, vector<1000x128xf32>
    %add3A = arith.addf %get3A_6, %get3A_9 : vector<1000x128xf32>
    %div3A = vector.broadcast %max3A_3 : vector<1000x1xf32> to vector<1000x128xf32>
    %div3A_10 = arith.divf %add3A, %div3A : vector<1000x128xf32>
    %get3A_11 = arith.constant 0 : index
    %get3A_12 = arith.constant 0 : index
    %get3A_13 = vector.load %arg4[%get3A_11, %get3A_12] : memref<1x128xf32, #tpu.memory_space<vmem>>, vector<1x128xf32>
    %add3A_14 = vector.broadcast %get3A_13 : vector<1x128xf32> to vector<1000x128xf32>
    %add3A_15 = arith.addf %div3A_10, %add3A_14 : vector<1000x128xf32>
    %ge3A = arith.constant 0.000000e+00 : f32
    %ge3A_16 = vector.broadcast %ge3A : f32 to vector<1000x128xf32>
    %ge3A_17 = arith.cmpf oge, %add3A_15, %ge3A_16 : vector<1000x128xf32>
    %mul3A = arith.constant 0.00999999977 : f32
    %mul3A_18 = vector.broadcast %mul3A : f32 to vector<1000x128xf32>
    %mul3A_19 = arith.mulf %mul3A_18, %add3A_15 : vector<1000x128xf32>
    %select_n3A = arith.select %ge3A_17, %add3A_15, %mul3A_19 : vector<1000x128xi1>, vector<1000x128xf32>
    %get3A_20 = arith.constant 0 : index
    %get3A_21 = arith.constant 0 : index
    %get3A_22 = vector.load %arg5[%get3A_20, %get3A_21] : memref<128x128xf32, #tpu.memory_space<vmem>>, vector<128x128xf32>
    %dot_general3A = arith.constant dense<0.000000e+00> : vector<1000x128xf32>
    %dot_general3A_23 = tpu.matmul %select_n3A, %get3A_22, %dot_general3A {dimension_numbers = #tpu.dot_dimension_numbers<[1], [0], [0], [1], [0, 0, 1, 1], [], []>, transpose_lhs_hint = false} : vector<1000x128xf32>, vector<128x128xf32>, vector<1000x128xf32> -> vector<1000x128xf32>
    %swap3A = arith.constant 0 : index
    %swap3A_24 = arith.constant 0 : index
    %swap3A_25 = vector.load %arg6[%swap3A, %swap3A_24] : memref<1000x128xf32, #tpu.memory_space<vmem>>, vector<1000x128xf32>
    tpu.vector_store %arg6[%swap3A, %swap3A_24], %dot_general3A_23 {strides = array<i32>} : memref<1000x128xf32, #tpu.memory_space<vmem>>, vector<1000x128xf32>,
    return
  }
  func.func @transform_0(%arg0: i32) -> (i32, i32) {
    %c0_i32 = arith.constant 0 : i32
    %c0_i32_0 = arith.constant 0 : i32
    return %arg0, %c0_i32 : i32, i32
  }
  func.func @transform_1(%arg0: i32) -> (i32, i32) {
    %c0_i32 = arith.constant 0 : i32
    %c0_i32_0 = arith.constant 0 : i32
    return %arg0, %c0_i32 : i32, i32
  }
  func.func @transform_2(%arg0: i32) -> (i32, i32) {
    %c0_i32 = arith.constant 0 : i32
    %c0_i32_0 = arith.constant 0 : i32
    return %arg0, %c0_i32 : i32, i32
  }
  func.func @transform_3(%arg0: i32) -> (i32, i32) {
    %c0_i32 = arith.constant 0 : i32
    %c0_i32_0 = arith.constant 0 : i32
    %c0_i32_1 = arith.constant 0 : i32
    return %c0_i32, %c0_i32_0 : i32, i32
  }
  func.func @transform_4(%arg0: i32) -> (i32, i32) {
    %c0_i32 = arith.constant 0 : i32
    %c0_i32_0 = arith.constant 0 : i32
    %c0_i32_1 = arith.constant 0 : i32
    return %c0_i32, %c0_i32_0 : i32, i32
  }
  func.func @transform_5(%arg0: i32) -> (i32, i32) {
    %c0_i32 = arith.constant 0 : i32
    %c0_i32_0 = arith.constant 0 : i32
    return %arg0, %c0_i32 : i32, i32
  }
}

module attributes {stable_mosaic.version = 14 : i64} {
  func.func @_final_body(%arg0: i32, %arg1: memref<1000x128xf32, #tpu.memory_space<vmem>>, %arg2: memref<1000x128xf32, #tpu.memory_space<vmem>>, %arg3: memref<1000x128xf32, #tpu.memory_space<vmem>>, %arg4: memref<1x128xf32, #tpu.memory_space<vmem>>, %arg5: memref<128x16xf32, #tpu.memory_space<vmem>>, %arg6: memref<1x16xf32, #tpu.memory_space<vmem>>, %arg7: memref<1000x128xf32, #tpu.memory_space<vmem>>, %arg8: memref<1x128xf32, #tpu.memory_space<vmem>>, %arg9: memref<1x16xf32, #tpu.memory_space<vmem>>) attributes {dimension_semantics = [#tpu.dimension_semantics<arbitrary>], iteration_bounds = array<i64: 10>, scalar_prefetch = 0 : i64, scratch_operands = 0 : i64, tpu.core_type = #tpu.core_type<tc>, window_params = [{transform_indices = @transform_0, window_bounds = array<i64: 1000, 128>}, {transform_indices = @transform_1, window_bounds = array<i64: 1000, 128>}, {transform_indices = @transform_2, window_bounds = array<i64: 1000, 128>}, {pipeline_mode = #tpu.pipeline_mode<synchronous>, transform_indices = @transform_3, window_bounds = array<i64: 1, 128>}, {pipeline_mode = #tpu.pipeline_mode<synchronous>, transform_indices = @transform_4, window_bounds = array<i64: 128, 16>}, {pipeline_mode = #tpu.pipeline_mode<synchronous>, transform_indices = @transform_5, window_bounds = array<i64: 1, 16>}, {transform_indices = @transform_6, window_bounds = array<i64: 1000, 128>}, {pipeline_mode = #tpu.pipeline_mode<synchronous>, transform_indices = @transform_7, window_bounds = array<i64: 1, 128>}, {pipeline_mode = #tpu.pipeline_mode<synchronous>, transform_indices = @transform_8, window_bounds = array<i64: 1, 16>}]} {
    %get3A = arith.constant 0 : index
    %get3A_0 = arith.constant 0 : index
    %get3A_1 = vector.load %arg3[%get3A, %get3A_0] : memref<1000x128xf32, #tpu.memory_space<vmem>>, vector<1000x128xf32>
    %slice3A = vector.extract_strided_slice %get3A_1 {offsets = [0, 0], sizes = [1000, 1], strides = [1, 1]} : vector<1000x128xf32> to vector<1000x1xf32>
    %max3A = arith.constant 1.000000e+00 : f32
    %max3A_2 = vector.broadcast %max3A : f32 to vector<1000x1xf32>
    %max3A_3 = arith.maximumf %slice3A, %max3A_2 : vector<1000x1xf32>
    %get3A_4 = arith.constant 0 : index
    %get3A_5 = arith.constant 0 : index
    %get3A_6 = vector.load %arg1[%get3A_4, %get3A_5] : memref<1000x128xf32, #tpu.memory_space<vmem>>, vector<1000x128xf32>
    %get3A_7 = arith.constant 0 : index
    %get3A_8 = arith.constant 0 : index
    %get3A_9 = vector.load %arg2[%get3A_7, %get3A_8] : memref<1000x128xf32, #tpu.memory_space<vmem>>, vector<1000x128xf32>
    %add3A = arith.addf %get3A_6, %get3A_9 : vector<1000x128xf32>
    %div3A = vector.broadcast %max3A_3 : vector<1000x1xf32> to vector<1000x128xf32>
    %div3A_10 = arith.divf %add3A, %div3A : vector<1000x128xf32>
    %get3A_11 = arith.constant 0 : index
    %get3A_12 = arith.constant 0 : index
    %get3A_13 = vector.load %arg4[%get3A_11, %get3A_12] : memref<1x128xf32, #tpu.memory_space<vmem>>, vector<1x128xf32>
    %add3A_14 = vector.broadcast %get3A_13 : vector<1x128xf32> to vector<1000x128xf32>
    %add3A_15 = arith.addf %div3A_10, %add3A_14 : vector<1000x128xf32>
    %ge3A = arith.constant 0.000000e+00 : f32
    %ge3A_16 = vector.broadcast %ge3A : f32 to vector<1000x128xf32>
    %ge3A_17 = arith.cmpf oge, %add3A_15, %ge3A_16 : vector<1000x128xf32>
    %mul3A = arith.constant 0.00999999977 : f32
    %mul3A_18 = vector.broadcast %mul3A : f32 to vector<1000x128xf32>
    %mul3A_19 = arith.mulf %mul3A_18, %add3A_15 : vector<1000x128xf32>
    %select_n3A = arith.select %ge3A_17, %add3A_15, %mul3A_19 : vector<1000x128xi1>, vector<1000x128xf32>
    %swap3A = arith.constant 0 : index
    %swap3A_20 = arith.constant 0 : index
    %swap3A_21 = vector.load %arg7[%swap3A, %swap3A_20] : memref<1000x128xf32, #tpu.memory_space<vmem>>, vector<1000x128xf32>
    tpu.vector_store %arg7[%swap3A, %swap3A_20], %select_n3A {strides = array<i32>} : memref<1000x128xf32, #tpu.memory_space<vmem>>, vector<1000x128xf32>,
    %reduce_sum3A = arith.constant dense<0.000000e+00> : vector<128xf32>
    %reduce_sum3A_22 = vector.multi_reduction <add>, %select_n3A, %reduce_sum3A [0] : vector<1000x128xf32> to vector<128xf32>
    %broadcast_in_dim3A = vector.shape_cast %reduce_sum3A_22 : vector<128xf32> to vector<1x128xf32>
    %eq3A = arith.constant 0 : i32
    %eq3A_23 = arith.cmpi eq, %arg0, %eq3A : i32
    %convert_element_type3A = arith.extui %eq3A_23 : i1 to i32
    %cond3A = arith.constant 0 : i32
    %cond3A_24 = arith.cmpi ne, %convert_element_type3A, %cond3A : i32
    scf.if %cond3A_24 {
      %broadcast_in_dim3A_37 = arith.constant 0.000000e+00 : f32
      %broadcast_in_dim3A_38 = vector.broadcast %broadcast_in_dim3A_37 : f32 to vector<1x128xf32>
      %swap3A_39 = arith.constant 0 : index
      %swap3A_40 = arith.constant 0 : index
      %swap3A_41 = vector.load %arg8[%swap3A_39, %swap3A_40] : memref<1x128xf32, #tpu.memory_space<vmem>>, vector<1x128xf32>
      tpu.vector_store %arg8[%swap3A_39, %swap3A_40], %broadcast_in_dim3A_38 {strides = array<i32>} : memref<1x128xf32, #tpu.memory_space<vmem>>, vector<1x128xf32>,
      %broadcast_in_dim3A_42 = arith.constant 0.000000e+00 : f32
      %broadcast_in_dim3A_43 = vector.broadcast %broadcast_in_dim3A_42 : f32 to vector<1x16xf32>
      %swap3A_44 = arith.constant 0 : index
      %swap3A_45 = arith.constant 0 : index
      %swap3A_46 = vector.load %arg9[%swap3A_44, %swap3A_45] : memref<1x16xf32, #tpu.memory_space<vmem>>, vector<1x16xf32>
      tpu.vector_store %arg9[%swap3A_44, %swap3A_45], %broadcast_in_dim3A_43 {strides = array<i32>} : memref<1x16xf32, #tpu.memory_space<vmem>>, vector<1x16xf32>,
    } else {
    }
    %get3A_25 = arith.constant 0 : index
    %get3A_26 = arith.constant 0 : index
    %get3A_27 = vector.load %arg8[%get3A_25, %get3A_26] : memref<1x128xf32, #tpu.memory_space<vmem>>, vector<1x128xf32>
    %add3A_28 = arith.addf %get3A_27, %broadcast_in_dim3A : vector<1x128xf32>
    %swap3A_29 = arith.constant 0 : index
    %swap3A_30 = arith.constant 0 : index
    %swap3A_31 = vector.load %arg8[%swap3A_29, %swap3A_30] : memref<1x128xf32, #tpu.memory_space<vmem>>, vector<1x128xf32>
    tpu.vector_store %arg8[%swap3A_29, %swap3A_30], %add3A_28 {strides = array<i32>} : memref<1x128xf32, #tpu.memory_space<vmem>>, vector<1x128xf32>,
    %eq3A_32 = arith.constant 9 : i32
    %eq3A_33 = arith.cmpi eq, %arg0, %eq3A_32 : i32
    %convert_element_type3A_34 = arith.extui %eq3A_33 : i1 to i32
    %cond3A_35 = arith.constant 0 : i32
    %cond3A_36 = arith.cmpi ne, %convert_element_type3A_34, %cond3A_35 : i32
    scf.if %cond3A_36 {
      %get3A_37 = arith.constant 0 : index
      %get3A_38 = arith.constant 0 : index
      %get3A_39 = vector.load %arg8[%get3A_37, %get3A_38] : memref<1x128xf32, #tpu.memory_space<vmem>>, vector<1x128xf32>
      %div3A_40 = arith.constant 1.000000e+04 : f32
      %div3A_41 = vector.broadcast %div3A_40 : f32 to vector<1x128xf32>
      %div3A_42 = arith.divf %get3A_39, %div3A_41 : vector<1x128xf32>
      %swap3A_43 = arith.constant 0 : index
      %swap3A_44 = arith.constant 0 : index
      %swap3A_45 = vector.load %arg8[%swap3A_43, %swap3A_44] : memref<1x128xf32, #tpu.memory_space<vmem>>, vector<1x128xf32>
      tpu.vector_store %arg8[%swap3A_43, %swap3A_44], %div3A_42 {strides = array<i32>} : memref<1x128xf32, #tpu.memory_space<vmem>>, vector<1x128xf32>,
      %get3A_46 = arith.constant 0 : index
      %get3A_47 = arith.constant 0 : index
      %get3A_48 = vector.load %arg5[%get3A_46, %get3A_47] : memref<128x16xf32, #tpu.memory_space<vmem>>, vector<128x16xf32>
      %dot_general3A = arith.constant dense<0.000000e+00> : vector<1x16xf32>
      %dot_general3A_49 = tpu.matmul %div3A_42, %get3A_48, %dot_general3A {dimension_numbers = #tpu.dot_dimension_numbers<[1], [0], [0], [1], [0, 0, 1, 1], [], []>, transpose_lhs_hint = false} : vector<1x128xf32>, vector<128x16xf32>, vector<1x16xf32> -> vector<1x16xf32>
      %get3A_50 = arith.constant 0 : index
      %get3A_51 = arith.constant 0 : index
      %get3A_52 = vector.load %arg6[%get3A_50, %get3A_51] : memref<1x16xf32, #tpu.memory_space<vmem>>, vector<1x16xf32>
      %add3A_53 = arith.addf %dot_general3A_49, %get3A_52 : vector<1x16xf32>
      %neg3A = arith.constant 0.000000e+00 : f32
      %neg3A_54 = vector.broadcast %neg3A : f32 to vector<1x16xf32>
      %neg3A_55 = arith.subf %neg3A_54, %add3A_53 : vector<1x16xf32>
      %exp3A = math.exp %neg3A_55 : vector<1x16xf32>
      %add3A_56 = arith.constant 1.000000e+00 : f32
      %add3A_57 = vector.broadcast %add3A_56 : f32 to vector<1x16xf32>
      %add3A_58 = arith.addf %add3A_57, %exp3A : vector<1x16xf32>
      %div3A_59 = arith.constant 1.000000e+00 : f32
      %div3A_60 = vector.broadcast %div3A_59 : f32 to vector<1x16xf32>
      %div3A_61 = arith.divf %div3A_60, %add3A_58 : vector<1x16xf32>
      %swap3A_62 = arith.constant 0 : index
      %swap3A_63 = arith.constant 0 : index
      %swap3A_64 = vector.load %arg9[%swap3A_62, %swap3A_63] : memref<1x16xf32, #tpu.memory_space<vmem>>, vector<1x16xf32>
      tpu.vector_store %arg9[%swap3A_62, %swap3A_63], %div3A_61 {strides = array<i32>} : memref<1x16xf32, #tpu.memory_space<vmem>>, vector<1x16xf32>,
    } else {
    }
    return
  }
  func.func @transform_0(%arg0: i32) -> (i32, i32) {
    %c0_i32 = arith.constant 0 : i32
    %c0_i32_0 = arith.constant 0 : i32
    return %arg0, %c0_i32 : i32, i32
  }
  func.func @transform_1(%arg0: i32) -> (i32, i32) {
    %c0_i32 = arith.constant 0 : i32
    %c0_i32_0 = arith.constant 0 : i32
    return %arg0, %c0_i32 : i32, i32
  }
  func.func @transform_2(%arg0: i32) -> (i32, i32) {
    %c0_i32 = arith.constant 0 : i32
    %c0_i32_0 = arith.constant 0 : i32
    return %arg0, %c0_i32 : i32, i32
  }
  func.func @transform_3(%arg0: i32) -> (i32, i32) {
    %c0_i32 = arith.constant 0 : i32
    %c0_i32_0 = arith.constant 0 : i32
    %c0_i32_1 = arith.constant 0 : i32
    return %c0_i32, %c0_i32_0 : i32, i32
  }
  func.func @transform_4(%arg0: i32) -> (i32, i32) {
    %c0_i32 = arith.constant 0 : i32
    %c0_i32_0 = arith.constant 0 : i32
    %c0_i32_1 = arith.constant 0 : i32
    return %c0_i32, %c0_i32_0 : i32, i32
  }
  func.func @transform_5(%arg0: i32) -> (i32, i32) {
    %c0_i32 = arith.constant 0 : i32
    %c0_i32_0 = arith.constant 0 : i32
    %c0_i32_1 = arith.constant 0 : i32
    return %c0_i32, %c0_i32_0 : i32, i32
  }
  func.func @transform_6(%arg0: i32) -> (i32, i32) {
    %c0_i32 = arith.constant 0 : i32
    %c0_i32_0 = arith.constant 0 : i32
    return %arg0, %c0_i32 : i32, i32
  }
  func.func @transform_7(%arg0: i32) -> (i32, i32) {
    %c0_i32 = arith.constant 0 : i32
    %c0_i32_0 = arith.constant 0 : i32
    %c0_i32_1 = arith.constant 0 : i32
    return %c0_i32, %c0_i32_0 : i32, i32
  }
  func.func @transform_8(%arg0: i32) -> (i32, i32) {
    %c0_i32 = arith.constant 0 : i32
    %c0_i32_0 = arith.constant 0 : i32
    %c0_i32_1 = arith.constant 0 : i32
    return %c0_i32, %c0_i32_0 : i32, i32
  }
}

</mosaic_0001>

<sc_bundles>
// kernel: kernel.12.cloned.1.call-start
scs
__scs_entry_jumppad:
0x0: {  	(pc) =	sbr.rel $0x88, $3  }
0x1: {  	(tag) =	ssettag $0x0;
	lr =	simm.s32 $0x1  }
0x2: {  	[smem:$0x3F99] =	sst lr;
	_ =	strace $0xD0000000  }
0x3: {  	_ = 	snop  }
0x4: {  	_ = 	snop  }
0x5: {  	_ = 	snop  }
0x6: {  	_ = 	snop  }
0x7: {  	_ = 	snop  }
__scs_overlays_trampoline_lowered:
0x8: {  	[smem:$0x3FA8] =	sst s0  }
0x9: {  	[smem:$0x3FA9] =	sst s1  }
0xa: {  	[smem:$0x3FAA] =	sst s2  }
0xb: {  	[smem:$0x3FAB] =	sst s3  }
0xc: {  	[smem:$0x3FAC] =	sst s4  }
0xd: {  	[smem:$0x3FAD] =	sst s5  }
0xe: {  	[smem:$0x3FAE] =	sst s6  }
0xf: {  	[smem:$0x3FAF] =	sst s7  }
0x10: {  	[smem:$0x3FB0] =	sst s8  }
0x11: {  	[smem:$0x3FB1] =	sst s9;
	s0 =	simm.s32 @!p0 $0x0  }
0x12: {  	s1 =	sld [smem:$0x3F97];
	s0 =	simm.s32 @p0 $0x1  }
0x13: {  	[smem:$0x3FB2] =	sst s0;
	s0 =	simm.s32 @!p1 $0x0  }
0x14: {  	s2 =	sld [smem:$0x3F96];
	s0 =	simm.s32 @p1 $0x1  }
0x15: {  	[smem:$0x3FB3] =	sst s0;
	s0 =	simm.s32 @!p2 $0x0  }
0x16: {  	s3 =	sld [smem:$0x3FDB];
	s0 =	simm.s32 @p2 $0x1  }
0x17: {  	s4 =	simm.s32 $0x1BF5;
	[smem:$0x3FB5] =	sst s0  }
0x18: {  	s0 =	sld [smem:$0x3F98];
	_ =	swait.ge [sflag:s4], $0x0  }
0x19: {  	s7 =	sld [smem:$0x3F99]  }
0x1a: {  	s8 =	sadd.s32 $0xFFFFE003, lr  }
0x1b: {  	s9 =	sadd.s32 $0xFFFFFEF7, lr;
	s5 =	simm.s32 $0xFFFFFFFF;
	p2 =	slt.u32 s8, $0xFFFFF086  }
0x1c: {  	p1 =	slt.u32 s9, $0xF7A;
	s5 =	simm.s32 @!p2 $0x0  }
0x1d: {  	s5 =	simm.s32 @p1 $0x1;
	p0 =	seq.s32 s7, s2  }
0x1e: {  	s7 =	smul.u32 @!p0 $0xF7A, s2;
	p2 =	seq.s32 @!p0 s5, $0x0  }
0x1f: {  	s9 =	smul.u32 $0xF7A, s1;
	s8 =	simm.s32 @!p0 $0x1BF5;
	p2 =	por !p2, p0  }
0x20: {  	[sflag:s8] =	ssyncset.s32 @!p0 $0xFFFFF086;
	s6 =	sadd.s32 @!p0 s3, s7;
	s7 =	simm.s32 @!p0 $0x108  }
0x21: {  	s3 =	sadd.s32 s3, s9;
	s6 =	sadd.s32 @!p0 $0x88, s6;
	s7 =	simm.s32 @p2 $0x1082  }
0x22: {  	[simem:s7], [sflag:s8] =	dma.local @!p0 [hbm:s6], $0xF7A  }
0x23: {  	s9 =	sor.u32 $0xD0000000, s2;
	s6 =	simm.s32 $0x108;
	_ =	swait.ge @!p0 [sflag:s8], $0x0  }
0x24: {  	s3 =	sadd.s32 $0x88, s3;
	s6 =	simm.s32 @!p1 $0x1082;
	[sflag:s4] =	ssyncset.s32 $0xFFFFF086  }
0x25: {  	[simem:s6], [sflag:s4] =	dma.local [hbm:s3], $0xF7A  }
0x26: {  	[smem:$0x3F99] =	sst s1;
	(tag) =	ssettag s2;
	_ =	strace s9  }
0x27: {  	s1 =	sld [smem:$0x3FA9]  }
0x28: {  	s2 =	sld [smem:$0x3FAA]  }
0x29: {  	s4 =	sld [smem:$0x3FAC]  }
0x2a: {  	p0 =	seq.s32 s5, $0x0;
	s5 =	sld [smem:$0x3FAD]  }
0x2b: {  	s6 =	sld [smem:$0x3FAE]  }
0x2c: {  	s7 =	sld [smem:$0x3FAF]  }
0x2d: {  	s3 =	simm.s32 $0x108;
	s8 =	sld [smem:$0x3FB0]  }
0x2e: {  	s3 =	simm.s32 @!p0 $0x1082;
	s9 =	sld [smem:$0x3FB1]  }
0x2f: {  	lr =	sadd.s32 s0, s3;
	s0 =	sld [smem:$0x3FA8]  }
0x30: {  	s3 =	sld [smem:$0x3FAB]  }
0x31: {  	[smem:$0x3FB4] =	sst s10  }
0x32: {  	s10 =	sld [smem:$0x3FB2];
	_ =	sdelay $0x3  }
0x33: {  	p0 =	seq.s32 s10, $0x1;
	s10 =	sld [smem:$0x3FB4];
	_ =	sdelay $0x3  }
0x34: {  	[smem:$0x3FB4] =	sst s10  }
0x35: {  	s10 =	sld [smem:$0x3FB3];
	_ =	sdelay $0x3  }
0x36: {  	p1 =	seq.s32 s10, $0x1;
	s10 =	sld [smem:$0x3FB4];
	_ =	sdelay $0x3  }
0x37: {  	[smem:$0x3FB4] =	sst s10  }
0x38: {  	s10 =	sld [smem:$0x3FB5]  }
0x39: {  	_ = 	snop;
	(pc) =	sbr.ind lr, $3  }
0x3a: {  	_ = 	snop  }
0x3b: {  	_ = 	snop  }
0x3c: {  	p2 =	seq.s32 s10, $0x1;
	s10 =	sld [smem:$0x3FB4]  }
0x3d: {  	_ =	shalt  }
0x3e: {  	_ =	shalt  }
0x3f: {  	_ =	shalt  }
0x40: {  	_ =	shalt  }
0x41: {  	_ =	shalt  }
0x42: {  	_ =	shalt  }
0x43: {  	_ =	shalt  }
0x44: {  	_ =	shalt  }
0x45: {  	_ =	shalt  }
0x46: {  	_ =	shalt  }
0x47: {  	_ =	shalt  }
0x48: {  	_ =	shalt  }
0x49: {  	_ =	shalt  }
0x4a: {  	_ =	shalt  }
0x4b: {  	_ =	shalt  }
0x4c: {  	_ =	shalt  }
0x4d: {  	_ =	shalt  }
0x4e: {  	_ =	shalt  }
0x4f: {  	_ =	shalt  }
0x50: {  	_ =	shalt  }
0x51: {  	_ =	shalt  }
0x52: {  	_ =	shalt  }
0x53: {  	_ =	shalt  }
0x54: {  	_ =	shalt  }
0x55: {  	_ =	shalt  }
0x56: {  	_ =	shalt  }
0x57: {  	_ =	shalt  }
0x58: {  	_ =	shalt  }
0x59: {  	_ =	shalt  }
0x5a: {  	_ =	shalt  }
0x5b: {  	_ =	shalt  }
0x5c: {  	_ =	shalt  }
0x5d: {  	_ =	shalt  }
0x5e: {  	_ =	shalt  }
0x5f: {  	_ =	shalt  }
0x60: {  	_ =	shalt  }
0x61: {  	_ =	shalt  }
0x62: {  	_ =	shalt  }
0x63: {  	_ =	shalt  }
0x64: {  	_ =	shalt  }
0x65: {  	_ =	shalt  }
0x66: {  	_ =	shalt  }
0x67: {  	_ =	shalt  }
0x68: {  	_ =	shalt  }
0x69: {  	_ =	shalt  }
0x6a: {  	_ =	shalt  }
0x6b: {  	_ =	shalt  }
0x6c: {  	_ =	shalt  }
0x6d: {  	_ =	shalt  }
0x6e: {  	_ =	shalt  }
0x6f: {  	_ =	shalt  }
0x70: {  	_ =	shalt  }
0x71: {  	_ =	shalt  }
0x72: {  	_ =	shalt  }
0x73: {  	_ =	shalt  }
0x74: {  	_ =	shalt  }
0x75: {  	_ =	shalt  }
0x76: {  	_ =	shalt  }
0x77: {  	_ =	shalt  }
0x78: {  	_ =	shalt  }
0x79: {  	_ =	shalt  }
0x7a: {  	_ =	shalt  }
0x7b: {  	_ =	shalt  }
0x7c: {  	_ =	shalt  }
0x7d: {  	_ =	shalt  }
0x7e: {  	_ =	shalt  }
0x7f: {  	_ =	shalt  }
0x80: {  	_ =	shalt  }
0x81: {  	_ =	shalt  }
0x82: {  	_ =	shalt  }
0x83: {  	_ =	shalt  }
0x84: {  	_ =	shalt  }
0x85: {  	_ =	shalt  }
0x86: {  	_ =	shalt  }
0x87: {  	_ =	shalt  }
.Lfunc_end0:
.L_simem_size_0:
called_computation_lowered:
.L_overlay_start_0:
0x88: {  	s2 =	sld [smem:$0x3FD9]  }
0x89: {  	s3 =	sld [smem:$0x3FFE];
	_ =	sdelay $0x1  }
0x8a: {  	s1 =	srdreg.scid  }
0x8b: {  	s0 =	sand.u32 $0x1, s1  }
0x8c: {  	s17 =	sshll.u32 s0, $0xA;
	s2 =	sadd.s32 s3, s2  }
0x8d: {  	s2 =	sadd.s32 s2, s17  }
0x8e: {  	[smem:$0x3FC0] =	sst s2  }
0x8f: {  	_ = 	snop  }
0x90: {  	(tm) =	ssettm $0x1  }
0x91: {  	s18 =	sld [smem:$0x3FFB];
	_ =	sdelay $0x3  }
0x92: {  	_ =	strace s18  }
0x93: {  	s2 =	sld [smem:$0x3FFC];
	_ =	sdelay $0x3  }
0x94: {  	_ =	strace s2  }
0x95: {  	s2 =	sld [smem:$0x3FFD];
	_ =	sdelay $0x3  }
0x96: {  	_ =	strace s2  }
0x97: {  	_ =	strace $0x8FFFFFFF  }
0x98: {  	s19 =	sld [smem:$0x3FDB];
	_ =	sdelay $0x1  }
0x99: {  	s20 =	simm.s32 $_scs_section_size  }
0x9a: {  	s4 =	simm.s32 $_size__tile_overlayer_lowered;
	s5 =	simm.s32 $_tile_overlayer_lowered  }
0x9b: {  	s6 =	simm.s32 $0x1BFF;
	s21 =	sshll.u32 s5, $0x1;
	s3 =	sadd.s32 s20, s19  }
0x9c: {  	s22 =	simm.s32 $0x0;
	s4 =	sshll.u32 s4, $0x1;
	s5 =	sadd.s32 s21, s3  }
0x9d: {  	[timem:s22], [sflag:s6] =	dma.local [hbm:s5], s4  }
0x9e: {  	_ =	swait.ge [sflag:s6], s4  }
0x9f: {  	s4 =	ssub.s32 $0x0, s4;
	[sflag:s6] =	ssyncset.done $0x0  }
0xa0: {  	[sflag:s6] =	ssyncadd.s32 s4;
	_ =	sdelay $0x1  }
0xa1: {  	s23 =	simm.s32 $0x1B8B  }
0xa2: {  	_ =	swait.ge [sflag:s23], $0x1  }
0xa3: {  	[sflag:s23] =	ssyncset.done $0x0  }
0xa4: {  	[sflag:s23] =	ssyncadd.s32 $0xFFFFFFFF  }
0xa5: {  	s4 =	sld [smem:$0x0]  }
0xa6: {  	s5 =	sand.u32 $0xFFFFFFFE, s1  }
0xa7: {  	p0 =	sne.s32 s1, s5  }
0xa8: {  	s5 =	sshll.u32 @p0 s5, $0xE  }
0xa9: {  	s5 =	sadd.s32 @p0 $0x11B8D, s5;
	s6 =	sshll.u32 @p0 s4, $0x11  }
0xaa: {  	s5 =	sor.u32 @p0 s6, s5  }
0xab: {  	[sflag:s5] =	ssyncadd.remote.s32 @p0 $0x1;
	_ =	sdelay $0x1  }
0xac: {  	s5 =	simm.s32 @p0 $0x1B8D  }
0xad: {  	_ =	swait.eq @p0 [sflag:s5], $0x1  }
0xae: {  	[sflag:s5] =	ssyncadd.s32 @p0 $0xFFFFFFFF  }
0xaf: {  	s6 =	sshll.u32 @!p0 s1, $0xE  }
0xb0: {  	s6 =	sor.u32 @!p0 $0x4000, s6;
	s5 =	simm.s32 @!p0 $0x1B8D  }
0xb1: {  	s4 =	sshll.u32 @!p0 s4, $0x11;
	s6 =	sadd.s32 @!p0 $0x11B8D, s6;
	_ =	swait.eq @!p0 [sflag:s5], $0x1  }
0xb2: {  	s4 =	sor.u32 @!p0 s4, s6;
	[sflag:s5] =	ssyncadd.s32 @!p0 $0xFFFFFFFF  }
0xb3: {  	s25 =	simm.s32 $0x1B8E;
	s24 =	sld [smem:$0x3FFE];
	[sflag:s4] =	ssyncadd.remote.s32 @!p0 $0x1  }
0xb4: {  	s26 =	simm.s32 $execute0_lowered;
	[smem:$0x3FD2] =	sst s25  }
0xb5: {  	s5 =	sshll.u32 s26, $0x1;
	_ =	strace $0x80000049;
	[dreg:$0x1] =	wrdreg $0xFFFFFFFF  }
0xb6: {  	s28 =	simm.s32 $_size_execute0_lowered;
	s3 =	sadd.s32 s3, s5;
	[dreg:$0x0] =	wrdreg $0x0  }
0xb7: {  	s5 =	sshll.u32 s28, $0x1;
	[dreg:$0x2] =	wrdreg s3  }
0xb8: {  	[dreg:$0x3] =	wrdreg s5  }
0xb9: {  	[dreg:$0x4] =	wrdreg $0xC0  }
0xba: {  	_ =	task [dreg:s22], $0x5FFFF  }
0xbb: {  	[dreg:$0x1] =	wrdreg $0xFFFFFFFF  }
0xbc: {  	[dreg:$0x0] =	wrdreg $0x60  }
0xbd: {  	[dreg:$0x2] =	wrdreg s24  }
0xbe: {  	[dreg:$0x3] =	wrdreg $0x28800  }
0xbf: {  	[dreg:$0x4] =	wrdreg $0x9  }
0xc0: {  	_ =	task.clear_ibuf [dreg:s22], $0x5FFFF;
	_ =	strace $0x90000049  }
0xc1: {  	s29 =	simm.s32 $0x9;
	_ =	strace $0x8000004B  }
0xc2: {  	_ =	swait.ge [sflag:s29], $0x1  }
0xc3: {  	[sflag:s29] =	ssyncadd.s32 $0xFFFFFFFF  }
0xc4: {  	_ =	strace $0x9000004B  }
0xc5: {  	_ =	sfence  }
0xc6: {  	s30 =	sld [smem:$0x0];
	_ =	sdelay $0x2  }
0xc7: {  	s31 =	sshll.u32 s1, $0xD;
	s1 =	sshrl.u32 s1, $0x2  }
0xc8: {  	s4 =	sand.u32 $0x4000, s31;
	s1 =	sadd.s32 s1, s30  }
0xc9: {  	s0 =	sor.u32 s4, s0;
	s1 =	sshll.u32 s1, $0x11  }
0xca: {  	s0 =	sor.u32 s1, s0  }
0xcb: {  	s0 =	sadd.s32 $0x8F2B, s0  }
0xcc: {  	[sflag:s0] =	ssyncadd.remote.s32 $0x1  }
0xcd: {  	_ =	sfence.sel $0xFFFF  }
0xce: {  	[dreg:$0x0] =	wrdreg $0xFFFFFFFF;
	(pc) =	sbr.abs _section_cstart, $3  }
0xcf: {  	[dreg:$0x1] =	wrdreg $0xFFFFFFFF  }
0xd0: {  	_ =	task.clear_ibuf [dreg:s22], $0x2FFFF;
	_ =	strace $0x9FFFFFFF  }
0xd1: {  	(tm) =	ssettm $0x7FFFFFFF  }
tec
execute0_lowered:
.L_overlay_start_1:
0x0: {  	(tag) =	ssettag $0x1  }
0x1: {  	s0 =	srdreg.scid;
	s6 =	rddreg [dreg:$0x0]  }
0x2: {  	s2 =	rddreg [dreg:$0x1];
	s7 =	sand.u32 $0x1, s0  }
0x3: {  	s0 =	stileid.u32;
	s4 =	smul.u32 $0x4E200, s7  }
0x4: {  	s1 =	rddreg [dreg:$0x2];
	s3 =	simm.s32 $0x0;
	s5 =	smul.u32 $0x4E20, s0  }
0x5: {  	s13 =	simm.s32 $0x50;
	[smem:$0x7FF] =	sst s3;
	s8 =	smul.u32 $0x2800, s0  }
0x6: {  	s14 =	simm.s32 $0x0;
	_ =	strace $0x8000004A;
	s9 =	smul.u32 $0x28000, s7  }
0x7: {  	s11 =	smul.u32 $0x50000, s0;
	s7 =	ssub.s32 $0x2, s7;
	s31 =	sshll.u32 s0, $0x6  }
0x8: {  	s28 =	sshrl.u32 s7, $0x1;
	s4 =	sadd.s32 s5, s4;
	s5 =	sadd.s32 $0x16A00, s6  }
0x9: {  	s8 =	sadd.s32 s8, s9;
	s29 =	sshrl.u32 s11, $0x2;
	s30 =	ssub.s32 s7, s28  }
0xa: {  	s11 =	simm.s32 $0x1;
	s4 =	sshrl.u32 s4, $0x3;
	s8 =	sadd.s32 s8, s6  }
0xb: {  	s12 =	sadd.s32 s29, s2;
	s10 =	sadd.s32 s4, s6;
	s4 =	sadd.s32 $0x7CC00, s6  }
0xc: {  	s6 =	sor.u32 $0x1C01, s31;
	s7 =	sadd.s32 $0x7D200, s8;
	s8 =	smax.u32 s30, $0x1  }
0xd: {  	s9 =	sadd.s32 $0x69200, s10;
	s10 =	sshrl.u32 s12, $0x3;
	s12 =	simm.s32 $0x80  }
.LBB2_1:
0xe: {  	[spmem:s10], [sflag:s6] =	dma.local [hbm:s5], $0x2800  }
0xf: {  	_ =	swait.ge [sflag:s11], $0x2800  }
0x10: {  	[sflag:s11] =	ssyncset.done $0x0  }
0x11: {  	[sflag:s11] =	ssyncadd.s32 $0xFFFFD800  }
0x12: {  	[tilespmem:s12], [sflag:$0x1] =	stream.linear.gather [hbm4b:s4+s3], $0x2800, $0x38;
	[tilespmem:$0x16880] =	vst v63  }
0x13: {  	_ =	swait.ge [sflag:s11], $0x2800  }
0x14: {  	[sflag:s11] =	ssyncset.done $0x0  }
0x15: {  	[sflag:s11] =	ssyncadd.s32 $0xFFFFD800  }
0x16: {  	s15 =	sadd.s32 $0x0, s9;
	[bflag:$0x0] =	sbarrier.arrive $0xFFFF  }
0x17: {  	[tilespmem:s3], [sflag:$0x1] =	stream.linear.gather [hbm4b:s15+s3], $0x50, $0x38;
	[tilespmem:$0x16880] =	vst v63  }
0x18: {  	_ =	swait.ge [sflag:s11], $0x50  }
0x19: {  	[sflag:s11] =	ssyncset.done $0x0  }
0x1a: {  	[sflag:s11] =	ssyncadd.s32 $0xFFFFFFB0  }
0x1b: {  	[spmem:s2] =	stream.indirect.scatter.add.f32 [tilespmem:s12], [sflag:$0x1], $0x80, s3, s13, $0xb8;
	[tilespmem:$0x16880] =	vst v63  }
0x1c: {  	_ =	swait.ge [sflag:s11], $0x2800  }
0x1d: {  	s16 =	simm.s32 $0x14;
	s15 =	simm.s32 $0xA;
	[sflag:s11] =	ssyncset.done $0x0  }
.LBB2_2:
0x1e: {  	s17 =	sadd.s32 s15, s9  }
0x1f: {  	[sflag:s11] =	ssyncadd.s32 $0xFFFFD800;
	s15 =	smov.u32 s16;
	s18 =	sadd.s32 $0xA, s16  }
0x20: {  	[tilespmem:s3], [sflag:$0x1] =	stream.linear.gather [hbm4b:s17+s3], $0x50, $0x38;
	[tilespmem:$0x16880] =	vst v63  }
0x21: {  	p0 =	sne.s32 s16, $0x9BA;
	_ =	swait.ge [sflag:s11], $0x50  }
.Ltmp0:
0x22: {  	[sflag:s11] =	ssyncset.done $0x0;
	(pc) =	sbr.rel @p0 .LBB2_2-.Ltmp0, $4  }
0x23: {  	[sflag:s11] =	ssyncadd.s32 $0xFFFFFFB0  }
0x24: {  	[spmem:s2] =	stream.indirect.scatter.add.f32 [tilespmem:s12], [sflag:$0x1], $0x80, s3, s13, $0xb8;
	[tilespmem:$0x16880] =	vst v63  }
0x25: {  	_ =	swait.ge [sflag:s11], $0x2800  }
0x26: {  	s16 =	smov.u32 s18;
	[sflag:s11] =	ssyncset.done $0x0  }
0x27: {  	s15 =	sadd.s32 s15, s9;
	[sflag:s11] =	ssyncadd.s32 $0xFFFFD800  }
0x28: {  	[tilespmem:s3], [sflag:$0x1] =	stream.linear.gather [hbm4b:s15+s3], $0x50, $0x38;
	[tilespmem:$0x16880] =	vst v63  }
0x29: {  	_ =	swait.ge [sflag:s11], $0x50  }
0x2a: {  	[sflag:s11] =	ssyncset.done $0x0  }
0x2b: {  	[sflag:s11] =	ssyncadd.s32 $0xFFFFFFB0  }
0x2c: {  	[spmem:s2] =	stream.indirect.scatter.add.f32 [tilespmem:s12], [sflag:$0x1], $0x80, s3, s13, $0xb8;
	[tilespmem:$0x16880] =	vst v63  }
0x2d: {  	_ =	swait.ge [sflag:s11], $0x2800  }
0x2e: {  	s14 =	sadd.s32 $0x1, s14;
	[sflag:s11] =	ssyncset.done $0x0  }
0x2f: {  	p0 =	sne.s32 s14, s8;
	[sflag:s11] =	ssyncadd.s32 $0xFFFFD800  }
.Ltmp1:
0x30: {  	[bflag:$0x0] =	sbarrier.arrive $0xFFFF;
	(pc) =	sbr.rel @p0 .LBB2_1-.Ltmp1, $4  }
0x31: {  	[hbm:s7], [sflag:s6] =	dma.local [spmem:s10], $0x2800  }
0x32: {  	_ =	swait.ge [sflag:s11], $0x2800  }
0x33: {  	[sflag:s11] =	ssyncset.done $0x0  }
0x34: {  	[sflag:s11] =	ssyncadd.s32 $0xFFFFD800  }
0x35: {  	_ =	sfence.sel $0x180000  }
0x36: {  	[bflag:$0x0] =	sbarrier.arrive $0xFFFF  }
0x37: {  	p0 =	sne.s32 s0, $0x0;
	_ =	strace $0x9000004A  }
0x38: {  	s0 =	sadd.s32 @!p0 $0x100000, s1;
	[bflag:$0x2] =	sbarrier.arrive $0xFFFF  }
0x39: {  	[sflag:s0] =	ssyncadd.tile.s32 @!p0 $0x1;
	_ =	shalt  }
.Lfunc_end2:
_tile_overlayer_lowered:
.L_overlay_start_2:
0x3a: {  	(tag) =	ssettag $0x2  }
0x3b: {  	s0 =	rddreg [dreg:$0x0];
	s2 =	stileid.u32  }
0x3c: {  	s1 =	rddreg [dreg:$0x1];
	p0 =	sne.s32 s2, $0x0  }
0x3d: {  	s3 =	rddreg [dreg:$0x2];
	[bflag:$0x3] =	sbarrier.arrive $0xFFFF;
	s2 =	simm.s32 @!p0 $0x1C01  }
0x3e: {  	[timem:s3], [sflag:s2] =	dma.local @!p0 [hbm:s0], s1  }
0x3f: {  	s0 =	simm.s32 @!p0 $0x1  }
0x40: {  	_ =	swait.ge @!p0 [sflag:s0], s1  }
0x41: {  	s1 =	ssub.s32 @!p0 $0x0, s1;
	[sflag:s0] =	ssyncset.done @!p0 $0x0  }
0x42: {  	[sflag:s0] =	ssyncadd.s32 @!p0 s1  }
0x43: {  	[bflag:$0x3] =	sbarrier.arrive $0xFFFF  }
0x44: {  	_ =	shalt  }

// kernel: kernel.15.cloned.1.call-start
scs
__scs_entry_jumppad:
0x0: {  	(pc) =	sbr.rel $0x88, $3  }
0x1: {  	(tag) =	ssettag $0x0;
	lr =	simm.s32 $0x1  }
0x2: {  	[smem:$0x3F99] =	sst lr;
	_ =	strace $0xD0000000  }
0x3: {  	_ = 	snop  }
0x4: {  	_ = 	snop  }
0x5: {  	_ = 	snop  }
0x6: {  	_ = 	snop  }
0x7: {  	_ = 	snop  }
__scs_overlays_trampoline_lowered:
0x8: {  	[smem:$0x3FA8] =	sst s0  }
0x9: {  	[smem:$0x3FA9] =	sst s1  }
0xa: {  	[smem:$0x3FAA] =	sst s2  }
0xb: {  	[smem:$0x3FAB] =	sst s3  }
0xc: {  	[smem:$0x3FAC] =	sst s4  }
0xd: {  	[smem:$0x3FAD] =	sst s5  }
0xe: {  	[smem:$0x3FAE] =	sst s6  }
0xf: {  	[smem:$0x3FAF] =	sst s7  }
0x10: {  	[smem:$0x3FB0] =	sst s8  }
0x11: {  	[smem:$0x3FB1] =	sst s9;
	s0 =	simm.s32 @!p0 $0x0  }
0x12: {  	s1 =	sld [smem:$0x3F97];
	s0 =	simm.s32 @p0 $0x1  }
0x13: {  	[smem:$0x3FB2] =	sst s0;
	s0 =	simm.s32 @!p1 $0x0  }
0x14: {  	s2 =	sld [smem:$0x3F96];
	s0 =	simm.s32 @p1 $0x1  }
0x15: {  	[smem:$0x3FB3] =	sst s0;
	s0 =	simm.s32 @!p2 $0x0  }
0x16: {  	s3 =	sld [smem:$0x3FDB];
	s0 =	simm.s32 @p2 $0x1  }
0x17: {  	s4 =	simm.s32 $0x1BF5;
	[smem:$0x3FB5] =	sst s0  }
0x18: {  	s0 =	sld [smem:$0x3F98];
	_ =	swait.ge [sflag:s4], $0x0  }
0x19: {  	s7 =	sld [smem:$0x3F99]  }
0x1a: {  	s8 =	sadd.s32 $0xFFFFE003, lr  }
0x1b: {  	s9 =	sadd.s32 $0xFFFFFEF7, lr;
	s5 =	simm.s32 $0xFFFFFFFF;
	p2 =	slt.u32 s8, $0xFFFFF086  }
0x1c: {  	p1 =	slt.u32 s9, $0xF7A;
	s5 =	simm.s32 @!p2 $0x0  }
0x1d: {  	s5 =	simm.s32 @p1 $0x1;
	p0 =	seq.s32 s7, s2  }
0x1e: {  	s7 =	smul.u32 @!p0 $0xF7A, s2;
	p2 =	seq.s32 @!p0 s5, $0x0  }
0x1f: {  	s9 =	smul.u32 $0xF7A, s1;
	s8 =	simm.s32 @!p0 $0x1BF5;
	p2 =	por !p2, p0  }
0x20: {  	[sflag:s8] =	ssyncset.s32 @!p0 $0xFFFFF086;
	s6 =	sadd.s32 @!p0 s3, s7;
	s7 =	simm.s32 @!p0 $0x108  }
0x21: {  	s3 =	sadd.s32 s3, s9;
	s6 =	sadd.s32 @!p0 $0x88, s6;
	s7 =	simm.s32 @p2 $0x1082  }
0x22: {  	[simem:s7], [sflag:s8] =	dma.local @!p0 [hbm:s6], $0xF7A  }
0x23: {  	s9 =	sor.u32 $0xD0000000, s2;
	s6 =	simm.s32 $0x108;
	_ =	swait.ge @!p0 [sflag:s8], $0x0  }
0x24: {  	s3 =	sadd.s32 $0x88, s3;
	s6 =	simm.s32 @!p1 $0x1082;
	[sflag:s4] =	ssyncset.s32 $0xFFFFF086  }
0x25: {  	[simem:s6], [sflag:s4] =	dma.local [hbm:s3], $0xF7A  }
0x26: {  	[smem:$0x3F99] =	sst s1;
	(tag) =	ssettag s2;
	_ =	strace s9  }
0x27: {  	s1 =	sld [smem:$0x3FA9]  }
0x28: {  	s2 =	sld [smem:$0x3FAA]  }
0x29: {  	s4 =	sld [smem:$0x3FAC]  }
0x2a: {  	p0 =	seq.s32 s5, $0x0;
	s5 =	sld [smem:$0x3FAD]  }
0x2b: {  	s6 =	sld [smem:$0x3FAE]  }
0x2c: {  	s7 =	sld [smem:$0x3FAF]  }
0x2d: {  	s3 =	simm.s32 $0x108;
	s8 =	sld [smem:$0x3FB0]  }
0x2e: {  	s3 =	simm.s32 @!p0 $0x1082;
	s9 =	sld [smem:$0x3FB1]  }
0x2f: {  	lr =	sadd.s32 s0, s3;
	s0 =	sld [smem:$0x3FA8]  }
0x30: {  	s3 =	sld [smem:$0x3FAB]  }
0x31: {  	[smem:$0x3FB4] =	sst s10  }
0x32: {  	s10 =	sld [smem:$0x3FB2];
	_ =	sdelay $0x3  }
0x33: {  	p0 =	seq.s32 s10, $0x1;
	s10 =	sld [smem:$0x3FB4];
	_ =	sdelay $0x3  }
0x34: {  	[smem:$0x3FB4] =	sst s10  }
0x35: {  	s10 =	sld [smem:$0x3FB3];
	_ =	sdelay $0x3  }
0x36: {  	p1 =	seq.s32 s10, $0x1;
	s10 =	sld [smem:$0x3FB4];
	_ =	sdelay $0x3  }
0x37: {  	[smem:$0x3FB4] =	sst s10  }
0x38: {  	s10 =	sld [smem:$0x3FB5]  }
0x39: {  	_ = 	snop;
	(pc) =	sbr.ind lr, $3  }
0x3a: {  	_ = 	snop  }
0x3b: {  	_ = 	snop  }
0x3c: {  	p2 =	seq.s32 s10, $0x1;
	s10 =	sld [smem:$0x3FB4]  }
0x3d: {  	_ =	shalt  }
0x3e: {  	_ =	shalt  }
0x3f: {  	_ =	shalt  }
0x40: {  	_ =	shalt  }
0x41: {  	_ =	shalt  }
0x42: {  	_ =	shalt  }
0x43: {  	_ =	shalt  }
0x44: {  	_ =	shalt  }
0x45: {  	_ =	shalt  }
0x46: {  	_ =	shalt  }
0x47: {  	_ =	shalt  }
0x48: {  	_ =	shalt  }
0x49: {  	_ =	shalt  }
0x4a: {  	_ =	shalt  }
0x4b: {  	_ =	shalt  }
0x4c: {  	_ =	shalt  }
0x4d: {  	_ =	shalt  }
0x4e: {  	_ =	shalt  }
0x4f: {  	_ =	shalt  }
0x50: {  	_ =	shalt  }
0x51: {  	_ =	shalt  }
0x52: {  	_ =	shalt  }
0x53: {  	_ =	shalt  }
0x54: {  	_ =	shalt  }
0x55: {  	_ =	shalt  }
0x56: {  	_ =	shalt  }
0x57: {  	_ =	shalt  }
0x58: {  	_ =	shalt  }
0x59: {  	_ =	shalt  }
0x5a: {  	_ =	shalt  }
0x5b: {  	_ =	shalt  }
0x5c: {  	_ =	shalt  }
0x5d: {  	_ =	shalt  }
0x5e: {  	_ =	shalt  }
0x5f: {  	_ =	shalt  }
0x60: {  	_ =	shalt  }
0x61: {  	_ =	shalt  }
0x62: {  	_ =	shalt  }
0x63: {  	_ =	shalt  }
0x64: {  	_ =	shalt  }
0x65: {  	_ =	shalt  }
0x66: {  	_ =	shalt  }
0x67: {  	_ =	shalt  }
0x68: {  	_ =	shalt  }
0x69: {  	_ =	shalt  }
0x6a: {  	_ =	shalt  }
0x6b: {  	_ =	shalt  }
0x6c: {  	_ =	shalt  }
0x6d: {  	_ =	shalt  }
0x6e: {  	_ =	shalt  }
0x6f: {  	_ =	shalt  }
0x70: {  	_ =	shalt  }
0x71: {  	_ =	shalt  }
0x72: {  	_ =	shalt  }
0x73: {  	_ =	shalt  }
0x74: {  	_ =	shalt  }
0x75: {  	_ =	shalt  }
0x76: {  	_ =	shalt  }
0x77: {  	_ =	shalt  }
0x78: {  	_ =	shalt  }
0x79: {  	_ =	shalt  }
0x7a: {  	_ =	shalt  }
0x7b: {  	_ =	shalt  }
0x7c: {  	_ =	shalt  }
0x7d: {  	_ =	shalt  }
0x7e: {  	_ =	shalt  }
0x7f: {  	_ =	shalt  }
0x80: {  	_ =	shalt  }
0x81: {  	_ =	shalt  }
0x82: {  	_ =	shalt  }
0x83: {  	_ =	shalt  }
0x84: {  	_ =	shalt  }
0x85: {  	_ =	shalt  }
0x86: {  	_ =	shalt  }
0x87: {  	_ =	shalt  }
.Lfunc_end0:
.L_simem_size_0:
called_computation.1_lowered:
.L_overlay_start_0:
0x88: {  	s2 =	sld [smem:$0x3FD9]  }
0x89: {  	s3 =	sld [smem:$0x3FFE];
	_ =	sdelay $0x1  }
0x8a: {  	s1 =	srdreg.scid  }
0x8b: {  	s0 =	sand.u32 $0x1, s1  }
0x8c: {  	s14 =	sshll.u32 s0, $0xA;
	s2 =	sadd.s32 s3, s2  }
0x8d: {  	s2 =	sadd.s32 s2, s14  }
0x8e: {  	[smem:$0x3FC0] =	sst s2  }
0x8f: {  	_ = 	snop  }
0x90: {  	s2 =	sld [smem:$0x3FD0];
	_ =	sdelay $0x2  }
0x91: {  	s15 =	simm.s32 $0xB;
	s4 =	simm.s32 $0x10  }
0x92: {  	[smem:s4], [sflag:s15] =	dma.local [hbm:s2], $0x1  }
0x93: {  	_ =	swait.eq [sflag:s15], $0x1  }
0x94: {  	[sflag:s15] =	ssyncset.done $0x0  }
0x95: {  	[sflag:s15] =	ssyncadd.s32 $0xFFFFFFFF  }
0x96: {  	s16 =	sld [smem:$0x11];
	(tm) =	ssettm $0x1  }
0x97: {  	s17 =	sld [smem:$0x3FFB];
	_ =	sdelay $0x3  }
0x98: {  	_ =	strace s17  }
0x99: {  	s3 =	sld [smem:$0x3FFC];
	_ =	sdelay $0x3  }
0x9a: {  	_ =	strace s3  }
0x9b: {  	s3 =	sld [smem:$0x3FFD];
	_ =	sdelay $0x3  }
0x9c: {  	_ =	strace s3  }
0x9d: {  	_ =	strace $0x8FFFFFFF  }
0x9e: {  	s18 =	sld [smem:$0x3FDB];
	_ =	sdelay $0x1  }
0x9f: {  	s19 =	simm.s32 $_scs_section_size  }
0xa0: {  	s5 =	simm.s32 $_size__tile_overlayer_lowered;
	s6 =	simm.s32 $_tile_overlayer_lowered  }
0xa1: {  	s22 =	simm.s32 $0x1BFF;
	s21 =	sshll.u32 s6, $0x1;
	s3 =	sadd.s32 s19, s18  }
0xa2: {  	s7 =	simm.s32 $0x0;
	s20 =	sshll.u32 s5, $0x1;
	s5 =	sadd.s32 s21, s3  }
0xa3: {  	[timem:s7], [sflag:s22] =	dma.local [hbm:s5], s20  }
0xa4: {  	_ =	swait.ge [sflag:s22], s20  }
0xa5: {  	s4 =	ssub.s32 $0x0, s20;
	[sflag:s22] =	ssyncset.done $0x0  }
0xa6: {  	[sflag:s22] =	ssyncadd.s32 s4;
	_ =	sdelay $0x1  }
0xa7: {  	s23 =	simm.s32 $0x1B8B  }
0xa8: {  	_ =	swait.ge [sflag:s23], $0x1  }
0xa9: {  	[sflag:s23] =	ssyncset.done $0x0  }
0xaa: {  	s25 =	simm.s32 $0x1B8E;
	s24 =	sld [smem:$0x3FFE];
	[sflag:s23] =	ssyncadd.s32 $0xFFFFFFFF  }
0xab: {  	s26 =	simm.s32 $execute0_lowered;
	[smem:$0x3FD2] =	sst s25  }
0xac: {  	s5 =	sshll.u32 s26, $0x1;
	_ =	strace $0x80000046;
	[dreg:$0x1] =	wrdreg $0xFFFFFFFF  }
0xad: {  	s28 =	simm.s32 $_size_execute0_lowered;
	s3 =	sadd.s32 s3, s5;
	[dreg:$0x0] =	wrdreg $0x0  }
0xae: {  	s5 =	sshll.u32 s28, $0x1;
	[dreg:$0x2] =	wrdreg s3  }
0xaf: {  	[dreg:$0x3] =	wrdreg s5  }
0xb0: {  	[dreg:$0x4] =	wrdreg $0xC0  }
0xb1: {  	_ =	task [dreg:s7], $0x5FFFF  }
0xb2: {  	[dreg:$0x1] =	wrdreg $0xFFFFFFFF  }
0xb3: {  	[dreg:$0x0] =	wrdreg $0x60  }
0xb4: {  	[dreg:$0x2] =	wrdreg s16  }
0xb5: {  	[dreg:$0x3] =	wrdreg s24  }
0xb6: {  	[dreg:$0x4] =	wrdreg $0x29000  }
0xb7: {  	[dreg:$0x5] =	wrdreg $0xA  }
0xb8: {  	_ =	task.clear_ibuf [dreg:s7], $0x6FFFF;
	_ =	strace $0x90000046  }
0xb9: {  	s29 =	simm.s32 $0xA;
	_ =	strace $0x80000048  }
0xba: {  	_ =	swait.ge [sflag:s29], $0x1  }
0xbb: {  	[sflag:s29] =	ssyncadd.s32 $0xFFFFFFFF  }
0xbc: {  	_ =	strace $0x90000048  }
0xbd: {  	_ =	sfence  }
0xbe: {  	s30 =	sld [smem:$0x0];
	_ =	sdelay $0x2  }
0xbf: {  	s31 =	sshll.u32 s1, $0xD;
	s1 =	sshrl.u32 s1, $0x2  }
0xc0: {  	s3 =	sand.u32 $0x4000, s31;
	s1 =	sadd.s32 s1, s30  }
0xc1: {  	s0 =	sor.u32 s3, s0;
	s1 =	sshll.u32 s1, $0x11  }
0xc2: {  	s0 =	sor.u32 s1, s0  }
0xc3: {  	s0 =	sadd.s32 $0x8F2B, s0  }
0xc4: {  	[sflag:s0] =	ssyncadd.remote.s32 $0x1  }
0xc5: {  	_ =	sfence.sel $0xFFFF  }
0xc6: {  	[dreg:$0x0] =	wrdreg $0xFFFFFFFF;
	(pc) =	sbr.abs _section_cstart, $3  }
0xc7: {  	[dreg:$0x1] =	wrdreg $0xFFFFFFFF  }
0xc8: {  	_ =	task.clear_ibuf [dreg:s7], $0x2FFFF;
	_ =	strace $0x9FFFFFFF  }
0xc9: {  	(tm) =	ssettm $0x7FFFFFFF  }
tec
execute0_lowered:
.L_overlay_start_1:
0x0: {  	(tag) =	ssettag $0x1  }
0x1: {  	s1 =	rddreg [dreg:$0x0]  }
0x2: {  	s6 =	rddreg [dreg:$0x1]  }
0x3: {  	s0 =	srdreg.scid;
	s3 =	rddreg [dreg:$0x2]  }
0x4: {  	s2 =	rddreg [dreg:$0x3];
	s7 =	sand.u32 $0x1, s0  }
0x5: {  	s4 =	simm.s32 $0x0;
	s0 =	stileid.u32;
	s5 =	smul.u32 $0x27100, s7  }
0x6: {  	s13 =	simm.s32 $0x80;
	s14 =	simm.s32 $0x50;
	s8 =	smul.u32 $0x2710, s0  }
0x7: {  	s15 =	simm.s32 $0x100;
	s16 =	simm.s32 $0x1;
	s26 =	smul.u32 $0x2800, s0  }
0x8: {  	s17 =	simm.s32 $0x0;
	[smem:$0x7FF] =	sst s4;
	s9 =	smul.u32 $0x28000, s7  }
0x9: {  	_ =	strace $0x80000047;
	s11 =	smul.u32 $0x50000, s0;
	s7 =	ssub.s32 $0x2, s7  }
0xa: {  	s31 =	sshll.u32 s0, $0x6;
	s28 =	sshrl.u32 s7, $0x1;
	s5 =	sadd.s32 s8, s5  }
0xb: {  	s8 =	sadd.s32 s26, s9;
	s29 =	sshrl.u32 s11, $0x2;
	s30 =	ssub.s32 s7, s28  }
0xc: {  	s5 =	sshrl.u32 s5, $0x3;
	s8 =	sadd.s32 s8, s6;
	s12 =	sadd.s32 s29, s3  }
0xd: {  	s10 =	sadd.s32 s5, s6;
	s5 =	sadd.s32 $0x16A00, s6;
	s6 =	sor.u32 $0x1C02, s31  }
0xe: {  	s7 =	sadd.s32 $0x19200, s8;
	s8 =	smax.u32 s30, $0x1;
	s11 =	sshrl.u32 s12, $0x3  }
0xf: {  	s12 =	simm.s32 $0x2;
	s9 =	sadd.s32 $0x2E00, s10;
	s10 =	sadd.s32 $0xCC00, s10  }
.LBB2_1:
0x10: {  	[spmem:s11], [sflag:s6] =	dma.local [hbm:s5], $0x2800  }
0x11: {  	_ =	swait.ge [sflag:s12], $0x2800  }
0x12: {  	[sflag:s12] =	ssyncset.done $0x0  }
0x13: {  	[sflag:s12] =	ssyncadd.s32 $0xFFFFD800  }
0x14: {  	s18 =	sadd.s32 $0x0, s10;
	[bflag:$0x0] =	sbarrier.arrive $0xFFFF  }
0x15: {  	[tilespmem:s4], [sflag:$0x2] =	stream.linear.gather [hbm4b:s18+s4], $0x50, $0x38;
	[tilespmem:$0x16900] =	vst v63  }
0x16: {  	_ =	swait.ge [sflag:s12], $0x50  }
0x17: {  	[sflag:s12] =	ssyncset.done $0x0  }
0x18: {  	s31 =	sadd.s32 $0x0, s9;
	[sflag:s12] =	ssyncadd.s32 $0xFFFFFFB0  }
0x19: {  	[tilespmem:s13], [sflag:$0x2] =	stream.linear.gather [hbm4b:s31+s4], $0x50, $0x38;
	[tilespmem:$0x16900] =	vst v63  }
0x1a: {  	_ =	swait.ge [sflag:s12], $0x50  }
0x1b: {  	[sflag:s12] =	ssyncset.done $0x0  }
0x1c: {  	[sflag:s12] =	ssyncadd.s32 $0xFFFFFFB0  }
0x1d: {  	[tilespmem:s15], [sflag:$0x1] =	stream.indirect.gather [hbm4b:s1+s14], $0x80, s4, s14, $0xb8;
	[tilespmem:$0x16900] =	vst v63  }
0x1e: {  	_ =	swait.ge [sflag:s16], $0x2800  }
0x1f: {  	[sflag:s16] =	ssyncset.done $0x0  }
0x20: {  	[sflag:s16] =	ssyncadd.s32 $0xFFFFD800  }
0x21: {  	[spmem:s3] =	stream.indirect.scatter.add.f32 [tilespmem:s15], [sflag:$0x2], $0x80, s13, s14, $0xb8;
	[tilespmem:$0x16900] =	vst v63  }
0x22: {  	_ =	swait.ge [sflag:s12], $0x2800  }
0x23: {  	s19 =	simm.s32 $0x14;
	s18 =	simm.s32 $0xA;
	[sflag:s12] =	ssyncset.done $0x0  }
.LBB2_2:
0x24: {  	s20 =	sadd.s32 s18, s10  }
0x25: {  	[sflag:s12] =	ssyncadd.s32 $0xFFFFD800;
	s21 =	smov.u32 s19;
	s22 =	sadd.s32 $0xA, s19  }
0x26: {  	[tilespmem:s4], [sflag:$0x2] =	stream.linear.gather [hbm4b:s20+s4], $0x50, $0x38;
	[tilespmem:$0x16900] =	vst v63  }
0x27: {  	p0 =	sne.s32 s19, $0x4D8;
	_ =	swait.ge [sflag:s12], $0x50  }
0x28: {  	[sflag:s12] =	ssyncset.done $0x0  }
0x29: {  	s19 =	sadd.s32 s18, s9;
	s18 =	smov.u32 s21;
	[sflag:s12] =	ssyncadd.s32 $0xFFFFFFB0  }
0x2a: {  	[tilespmem:s13], [sflag:$0x2] =	stream.linear.gather [hbm4b:s19+s4], $0x50, $0x38;
	[tilespmem:$0x16900] =	vst v63  }
0x2b: {  	_ =	swait.ge [sflag:s12], $0x50  }
0x2c: {  	[sflag:s12] =	ssyncset.done $0x0  }
0x2d: {  	[sflag:s12] =	ssyncadd.s32 $0xFFFFFFB0  }
0x2e: {  	[tilespmem:s15], [sflag:$0x1] =	stream.indirect.gather [hbm4b:s1+s14], $0x80, s4, s14, $0xb8;
	[tilespmem:$0x16900] =	vst v63  }
0x2f: {  	_ =	swait.ge [sflag:s16], $0x2800  }
.Ltmp0:
0x30: {  	[sflag:s16] =	ssyncset.done $0x0;
	(pc) =	sbr.rel @p0 .LBB2_2-.Ltmp0, $4  }
0x31: {  	[sflag:s16] =	ssyncadd.s32 $0xFFFFD800  }
0x32: {  	[spmem:s3] =	stream.indirect.scatter.add.f32 [tilespmem:s15], [sflag:$0x2], $0x80, s13, s14, $0xb8;
	[tilespmem:$0x16900] =	vst v63  }
0x33: {  	_ =	swait.ge [sflag:s12], $0x2800  }
0x34: {  	s19 =	smov.u32 s22;
	[sflag:s12] =	ssyncset.done $0x0  }
0x35: {  	s19 =	sadd.s32 s18, s10;
	[sflag:s12] =	ssyncadd.s32 $0xFFFFD800  }
0x36: {  	[tilespmem:s4], [sflag:$0x2] =	stream.linear.gather [hbm4b:s19+s4], $0x50, $0x38;
	[tilespmem:$0x16900] =	vst v63  }
0x37: {  	_ =	swait.ge [sflag:s12], $0x50  }
0x38: {  	[sflag:s12] =	ssyncset.done $0x0  }
0x39: {  	s31 =	sadd.s32 s18, s9;
	[sflag:s12] =	ssyncadd.s32 $0xFFFFFFB0  }
0x3a: {  	[tilespmem:s13], [sflag:$0x2] =	stream.linear.gather [hbm4b:s31+s4], $0x50, $0x38;
	[tilespmem:$0x16900] =	vst v63  }
0x3b: {  	_ =	swait.ge [sflag:s12], $0x50  }
0x3c: {  	[sflag:s12] =	ssyncset.done $0x0  }
0x3d: {  	[sflag:s12] =	ssyncadd.s32 $0xFFFFFFB0  }
0x3e: {  	[tilespmem:s15], [sflag:$0x1] =	stream.indirect.gather [hbm4b:s1+s14], $0x80, s4, s14, $0xb8;
	[tilespmem:$0x16900] =	vst v63  }
0x3f: {  	_ =	swait.ge [sflag:s16], $0x2800  }
0x40: {  	[sflag:s16] =	ssyncset.done $0x0  }
0x41: {  	[sflag:s16] =	ssyncadd.s32 $0xFFFFD800  }
0x42: {  	[spmem:s3] =	stream.indirect.scatter.add.f32 [tilespmem:s15], [sflag:$0x2], $0x80, s13, s14, $0xb8;
	[tilespmem:$0x16900] =	vst v63  }
0x43: {  	_ =	swait.ge [sflag:s12], $0x2800  }
0x44: {  	s17 =	sadd.s32 $0x1, s17;
	[sflag:s12] =	ssyncset.done $0x0  }
0x45: {  	p0 =	sne.s32 s17, s8;
	[sflag:s12] =	ssyncadd.s32 $0xFFFFD800  }
.Ltmp1:
0x46: {  	[bflag:$0x0] =	sbarrier.arrive $0xFFFF;
	(pc) =	sbr.rel @p0 .LBB2_1-.Ltmp1, $4  }
0x47: {  	[hbm:s7], [sflag:s6] =	dma.local [spmem:s11], $0x2800  }
0x48: {  	_ =	swait.ge [sflag:s12], $0x2800  }
0x49: {  	[sflag:s12] =	ssyncset.done $0x0  }
0x4a: {  	[sflag:s12] =	ssyncadd.s32 $0xFFFFD800  }
0x4b: {  	_ =	sfence.sel $0x180000  }
0x4c: {  	[bflag:$0x0] =	sbarrier.arrive $0xFFFF  }
0x4d: {  	p0 =	sne.s32 s0, $0x0;
	_ =	strace $0x90000047  }
0x4e: {  	s0 =	sadd.s32 @!p0 $0x100000, s2;
	[bflag:$0x2] =	sbarrier.arrive $0xFFFF  }
0x4f: {  	[sflag:s0] =	ssyncadd.tile.s32 @!p0 $0x1;
	_ =	shalt  }
.Lfunc_end2:
_tile_overlayer_lowered:
.L_overlay_start_2:
0x50: {  	(tag) =	ssettag $0x2  }
0x51: {  	s0 =	rddreg [dreg:$0x0];
	s2 =	stileid.u32  }
0x52: {  	s1 =	rddreg [dreg:$0x1];
	p0 =	sne.s32 s2, $0x0  }
0x53: {  	s3 =	rddreg [dreg:$0x2];
	[bflag:$0x3] =	sbarrier.arrive $0xFFFF;
	s2 =	simm.s32 @!p0 $0x1C02  }
0x54: {  	[timem:s3], [sflag:s2] =	dma.local @!p0 [hbm:s0], s1  }
0x55: {  	s0 =	simm.s32 @!p0 $0x2  }
0x56: {  	_ =	swait.ge @!p0 [sflag:s0], s1  }
0x57: {  	s1 =	ssub.s32 @!p0 $0x0, s1;
	[sflag:s0] =	ssyncset.done @!p0 $0x0  }
0x58: {  	[sflag:s0] =	ssyncadd.s32 @!p0 s1  }
0x59: {  	[bflag:$0x3] =	sbarrier.arrive $0xFFFF  }
0x5a: {  	_ =	shalt  }

// kernel: kernel.18.cloned.1.call-start
scs
__scs_entry_jumppad:
0x0: {  	(pc) =	sbr.rel $0x88, $3  }
0x1: {  	(tag) =	ssettag $0x0;
	lr =	simm.s32 $0x1  }
0x2: {  	[smem:$0x3F99] =	sst lr;
	_ =	strace $0xD0000000  }
0x3: {  	_ = 	snop  }
0x4: {  	_ = 	snop  }
0x5: {  	_ = 	snop  }
0x6: {  	_ = 	snop  }
0x7: {  	_ = 	snop  }
__scs_overlays_trampoline_lowered:
0x8: {  	[smem:$0x3FA8] =	sst s0  }
0x9: {  	[smem:$0x3FA9] =	sst s1  }
0xa: {  	[smem:$0x3FAA] =	sst s2  }
0xb: {  	[smem:$0x3FAB] =	sst s3  }
0xc: {  	[smem:$0x3FAC] =	sst s4  }
0xd: {  	[smem:$0x3FAD] =	sst s5  }
0xe: {  	[smem:$0x3FAE] =	sst s6  }
0xf: {  	[smem:$0x3FAF] =	sst s7  }
0x10: {  	[smem:$0x3FB0] =	sst s8  }
0x11: {  	[smem:$0x3FB1] =	sst s9;
	s0 =	simm.s32 @!p0 $0x0  }
0x12: {  	s1 =	sld [smem:$0x3F97];
	s0 =	simm.s32 @p0 $0x1  }
0x13: {  	[smem:$0x3FB2] =	sst s0;
	s0 =	simm.s32 @!p1 $0x0  }
0x14: {  	s2 =	sld [smem:$0x3F96];
	s0 =	simm.s32 @p1 $0x1  }
0x15: {  	[smem:$0x3FB3] =	sst s0;
	s0 =	simm.s32 @!p2 $0x0  }
0x16: {  	s3 =	sld [smem:$0x3FDB];
	s0 =	simm.s32 @p2 $0x1  }
0x17: {  	s4 =	simm.s32 $0x1BF5;
	[smem:$0x3FB5] =	sst s0  }
0x18: {  	s0 =	sld [smem:$0x3F98];
	_ =	swait.ge [sflag:s4], $0x0  }
0x19: {  	s7 =	sld [smem:$0x3F99]  }
0x1a: {  	s8 =	sadd.s32 $0xFFFFE003, lr  }
0x1b: {  	s9 =	sadd.s32 $0xFFFFFEF7, lr;
	s5 =	simm.s32 $0xFFFFFFFF;
	p2 =	slt.u32 s8, $0xFFFFF086  }
0x1c: {  	p1 =	slt.u32 s9, $0xF7A;
	s5 =	simm.s32 @!p2 $0x0  }
0x1d: {  	s5 =	simm.s32 @p1 $0x1;
	p0 =	seq.s32 s7, s2  }
0x1e: {  	s7 =	smul.u32 @!p0 $0xF7A, s2;
	p2 =	seq.s32 @!p0 s5, $0x0  }
0x1f: {  	s9 =	smul.u32 $0xF7A, s1;
	s8 =	simm.s32 @!p0 $0x1BF5;
	p2 =	por !p2, p0  }
0x20: {  	[sflag:s8] =	ssyncset.s32 @!p0 $0xFFFFF086;
	s6 =	sadd.s32 @!p0 s3, s7;
	s7 =	simm.s32 @!p0 $0x108  }
0x21: {  	s3 =	sadd.s32 s3, s9;
	s6 =	sadd.s32 @!p0 $0x88, s6;
	s7 =	simm.s32 @p2 $0x1082  }
0x22: {  	[simem:s7], [sflag:s8] =	dma.local @!p0 [hbm:s6], $0xF7A  }
0x23: {  	s9 =	sor.u32 $0xD0000000, s2;
	s6 =	simm.s32 $0x108;
	_ =	swait.ge @!p0 [sflag:s8], $0x0  }
0x24: {  	s3 =	sadd.s32 $0x88, s3;
	s6 =	simm.s32 @!p1 $0x1082;
	[sflag:s4] =	ssyncset.s32 $0xFFFFF086  }
0x25: {  	[simem:s6], [sflag:s4] =	dma.local [hbm:s3], $0xF7A  }
0x26: {  	[smem:$0x3F99] =	sst s1;
	(tag) =	ssettag s2;
	_ =	strace s9  }
0x27: {  	s1 =	sld [smem:$0x3FA9]  }
0x28: {  	s2 =	sld [smem:$0x3FAA]  }
0x29: {  	s4 =	sld [smem:$0x3FAC]  }
0x2a: {  	p0 =	seq.s32 s5, $0x0;
	s5 =	sld [smem:$0x3FAD]  }
0x2b: {  	s6 =	sld [smem:$0x3FAE]  }
0x2c: {  	s7 =	sld [smem:$0x3FAF]  }
0x2d: {  	s3 =	simm.s32 $0x108;
	s8 =	sld [smem:$0x3FB0]  }
0x2e: {  	s3 =	simm.s32 @!p0 $0x1082;
	s9 =	sld [smem:$0x3FB1]  }
0x2f: {  	lr =	sadd.s32 s0, s3;
	s0 =	sld [smem:$0x3FA8]  }
0x30: {  	s3 =	sld [smem:$0x3FAB]  }
0x31: {  	[smem:$0x3FB4] =	sst s10  }
0x32: {  	s10 =	sld [smem:$0x3FB2];
	_ =	sdelay $0x3  }
0x33: {  	p0 =	seq.s32 s10, $0x1;
	s10 =	sld [smem:$0x3FB4];
	_ =	sdelay $0x3  }
0x34: {  	[smem:$0x3FB4] =	sst s10  }
0x35: {  	s10 =	sld [smem:$0x3FB3];
	_ =	sdelay $0x3  }
0x36: {  	p1 =	seq.s32 s10, $0x1;
	s10 =	sld [smem:$0x3FB4];
	_ =	sdelay $0x3  }
0x37: {  	[smem:$0x3FB4] =	sst s10  }
0x38: {  	s10 =	sld [smem:$0x3FB5]  }
0x39: {  	_ = 	snop;
	(pc) =	sbr.ind lr, $3  }
0x3a: {  	_ = 	snop  }
0x3b: {  	_ = 	snop  }
0x3c: {  	p2 =	seq.s32 s10, $0x1;
	s10 =	sld [smem:$0x3FB4]  }
0x3d: {  	_ =	shalt  }
0x3e: {  	_ =	shalt  }
0x3f: {  	_ =	shalt  }
0x40: {  	_ =	shalt  }
0x41: {  	_ =	shalt  }
0x42: {  	_ =	shalt  }
0x43: {  	_ =	shalt  }
0x44: {  	_ =	shalt  }
0x45: {  	_ =	shalt  }
0x46: {  	_ =	shalt  }
0x47: {  	_ =	shalt  }
0x48: {  	_ =	shalt  }
0x49: {  	_ =	shalt  }
0x4a: {  	_ =	shalt  }
0x4b: {  	_ =	shalt  }
0x4c: {  	_ =	shalt  }
0x4d: {  	_ =	shalt  }
0x4e: {  	_ =	shalt  }
0x4f: {  	_ =	shalt  }
0x50: {  	_ =	shalt  }
0x51: {  	_ =	shalt  }
0x52: {  	_ =	shalt  }
0x53: {  	_ =	shalt  }
0x54: {  	_ =	shalt  }
0x55: {  	_ =	shalt  }
0x56: {  	_ =	shalt  }
0x57: {  	_ =	shalt  }
0x58: {  	_ =	shalt  }
0x59: {  	_ =	shalt  }
0x5a: {  	_ =	shalt  }
0x5b: {  	_ =	shalt  }
0x5c: {  	_ =	shalt  }
0x5d: {  	_ =	shalt  }
0x5e: {  	_ =	shalt  }
0x5f: {  	_ =	shalt  }
0x60: {  	_ =	shalt  }
0x61: {  	_ =	shalt  }
0x62: {  	_ =	shalt  }
0x63: {  	_ =	shalt  }
0x64: {  	_ =	shalt  }
0x65: {  	_ =	shalt  }
0x66: {  	_ =	shalt  }
0x67: {  	_ =	shalt  }
0x68: {  	_ =	shalt  }
0x69: {  	_ =	shalt  }
0x6a: {  	_ =	shalt  }
0x6b: {  	_ =	shalt  }
0x6c: {  	_ =	shalt  }
0x6d: {  	_ =	shalt  }
0x6e: {  	_ =	shalt  }
0x6f: {  	_ =	shalt  }
0x70: {  	_ =	shalt  }
0x71: {  	_ =	shalt  }
0x72: {  	_ =	shalt  }
0x73: {  	_ =	shalt  }
0x74: {  	_ =	shalt  }
0x75: {  	_ =	shalt  }
0x76: {  	_ =	shalt  }
0x77: {  	_ =	shalt  }
0x78: {  	_ =	shalt  }
0x79: {  	_ =	shalt  }
0x7a: {  	_ =	shalt  }
0x7b: {  	_ =	shalt  }
0x7c: {  	_ =	shalt  }
0x7d: {  	_ =	shalt  }
0x7e: {  	_ =	shalt  }
0x7f: {  	_ =	shalt  }
0x80: {  	_ =	shalt  }
0x81: {  	_ =	shalt  }
0x82: {  	_ =	shalt  }
0x83: {  	_ =	shalt  }
0x84: {  	_ =	shalt  }
0x85: {  	_ =	shalt  }
0x86: {  	_ =	shalt  }
0x87: {  	_ =	shalt  }
.Lfunc_end0:
.L_simem_size_0:
called_computation.2_lowered:
.L_overlay_start_0:
0x88: {  	s2 =	sld [smem:$0x3FD9]  }
0x89: {  	s3 =	sld [smem:$0x3FFE];
	_ =	sdelay $0x1  }
0x8a: {  	s1 =	srdreg.scid  }
0x8b: {  	s0 =	sand.u32 $0x1, s1  }
0x8c: {  	s14 =	sshll.u32 s0, $0xA;
	s2 =	sadd.s32 s3, s2  }
0x8d: {  	s2 =	sadd.s32 s2, s14  }
0x8e: {  	[smem:$0x3FC0] =	sst s2  }
0x8f: {  	_ = 	snop  }
0x90: {  	s2 =	sld [smem:$0x3FD0];
	_ =	sdelay $0x2  }
0x91: {  	s15 =	simm.s32 $0xB;
	s4 =	simm.s32 $0x10  }
0x92: {  	[smem:s4], [sflag:s15] =	dma.local [hbm:s2], $0x1  }
0x93: {  	_ =	swait.eq [sflag:s15], $0x1  }
0x94: {  	[sflag:s15] =	ssyncset.done $0x0  }
0x95: {  	[sflag:s15] =	ssyncadd.s32 $0xFFFFFFFF  }
0x96: {  	s16 =	sld [smem:$0x11];
	(tm) =	ssettm $0x1  }
0x97: {  	s17 =	sld [smem:$0x3FFB];
	_ =	sdelay $0x3  }
0x98: {  	_ =	strace s17  }
0x99: {  	s3 =	sld [smem:$0x3FFC];
	_ =	sdelay $0x3  }
0x9a: {  	_ =	strace s3  }
0x9b: {  	s3 =	sld [smem:$0x3FFD];
	_ =	sdelay $0x3  }
0x9c: {  	_ =	strace s3  }
0x9d: {  	_ =	strace $0x8FFFFFFF  }
0x9e: {  	s18 =	sld [smem:$0x3FDB];
	_ =	sdelay $0x1  }
0x9f: {  	s19 =	simm.s32 $_scs_section_size  }
0xa0: {  	s5 =	simm.s32 $_size__tile_overlayer_lowered;
	s6 =	simm.s32 $_tile_overlayer_lowered  }
0xa1: {  	s22 =	simm.s32 $0x1BFF;
	s21 =	sshll.u32 s6, $0x1;
	s3 =	sadd.s32 s19, s18  }
0xa2: {  	s7 =	simm.s32 $0x0;
	s20 =	sshll.u32 s5, $0x1;
	s5 =	sadd.s32 s21, s3  }
0xa3: {  	[timem:s7], [sflag:s22] =	dma.local [hbm:s5], s20  }
0xa4: {  	_ =	swait.ge [sflag:s22], s20  }
0xa5: {  	s4 =	ssub.s32 $0x0, s20;
	[sflag:s22] =	ssyncset.done $0x0  }
0xa6: {  	[sflag:s22] =	ssyncadd.s32 s4;
	_ =	sdelay $0x1  }
0xa7: {  	s23 =	simm.s32 $0x1B8B  }
0xa8: {  	_ =	swait.ge [sflag:s23], $0x1  }
0xa9: {  	[sflag:s23] =	ssyncset.done $0x0  }
0xaa: {  	s25 =	simm.s32 $0x1B8E;
	s24 =	sld [smem:$0x3FFE];
	[sflag:s23] =	ssyncadd.s32 $0xFFFFFFFF  }
0xab: {  	s26 =	simm.s32 $execute0_lowered;
	[smem:$0x3FD2] =	sst s25  }
0xac: {  	s5 =	sshll.u32 s26, $0x1;
	_ =	strace $0x8000004C;
	[dreg:$0x1] =	wrdreg $0xFFFFFFFF  }
0xad: {  	s28 =	simm.s32 $_size_execute0_lowered;
	s3 =	sadd.s32 s3, s5;
	[dreg:$0x0] =	wrdreg $0x0  }
0xae: {  	s5 =	sshll.u32 s28, $0x1;
	[dreg:$0x2] =	wrdreg s3  }
0xaf: {  	[dreg:$0x3] =	wrdreg s5  }
0xb0: {  	[dreg:$0x4] =	wrdreg $0xC0  }
0xb1: {  	_ =	task [dreg:s7], $0x5FFFF  }
0xb2: {  	[dreg:$0x1] =	wrdreg $0xFFFFFFFF  }
0xb3: {  	[dreg:$0x0] =	wrdreg $0x60  }
0xb4: {  	[dreg:$0x2] =	wrdreg s16  }
0xb5: {  	[dreg:$0x3] =	wrdreg s24  }
0xb6: {  	[dreg:$0x4] =	wrdreg $0x29000  }
0xb7: {  	[dreg:$0x5] =	wrdreg $0x9  }
0xb8: {  	_ =	task.clear_ibuf [dreg:s7], $0x6FFFF;
	_ =	strace $0x9000004C  }
0xb9: {  	s29 =	simm.s32 $0x9;
	_ =	strace $0x8000004E  }
0xba: {  	_ =	swait.ge [sflag:s29], $0x1  }
0xbb: {  	[sflag:s29] =	ssyncadd.s32 $0xFFFFFFFF  }
0xbc: {  	_ =	strace $0x9000004E  }
0xbd: {  	_ =	sfence  }
0xbe: {  	s30 =	sld [smem:$0x0];
	_ =	sdelay $0x2  }
0xbf: {  	s31 =	sshll.u32 s1, $0xD;
	s1 =	sshrl.u32 s1, $0x2  }
0xc0: {  	s3 =	sand.u32 $0x4000, s31;
	s1 =	sadd.s32 s1, s30  }
0xc1: {  	s0 =	sor.u32 s3, s0;
	s1 =	sshll.u32 s1, $0x11  }
0xc2: {  	s0 =	sor.u32 s1, s0  }
0xc3: {  	s0 =	sadd.s32 $0x8F2B, s0  }
0xc4: {  	[sflag:s0] =	ssyncadd.remote.s32 $0x1  }
0xc5: {  	_ =	sfence.sel $0xFFFF  }
0xc6: {  	[dreg:$0x0] =	wrdreg $0xFFFFFFFF;
	(pc) =	sbr.abs _section_cstart, $3  }
0xc7: {  	[dreg:$0x1] =	wrdreg $0xFFFFFFFF  }
0xc8: {  	_ =	task.clear_ibuf [dreg:s7], $0x2FFFF;
	_ =	strace $0x9FFFFFFF  }
0xc9: {  	(tm) =	ssettm $0x7FFFFFFF  }
tec
execute0_lowered:
.L_overlay_start_1:
0x0: {  	(tag) =	ssettag $0x1  }
0x1: {  	s1 =	rddreg [dreg:$0x0]  }
0x2: {  	s6 =	rddreg [dreg:$0x1]  }
0x3: {  	s0 =	srdreg.scid;
	s3 =	rddreg [dreg:$0x2]  }
0x4: {  	s2 =	rddreg [dreg:$0x3];
	s7 =	sand.u32 $0x1, s0  }
0x5: {  	s4 =	simm.s32 $0x0;
	s0 =	stileid.u32;
	s5 =	smul.u32 $0x27100, s7  }
0x6: {  	s13 =	simm.s32 $0x80;
	s14 =	simm.s32 $0x50;
	s8 =	smul.u32 $0x2710, s0  }
0x7: {  	s15 =	simm.s32 $0x100;
	s16 =	simm.s32 $0x1;
	s26 =	smul.u32 $0x2800, s0  }
0x8: {  	s17 =	simm.s32 $0x0;
	[smem:$0x7FF] =	sst s4;
	s9 =	smul.u32 $0x28000, s7  }
0x9: {  	_ =	strace $0x8000004D;
	s11 =	smul.u32 $0x50000, s0;
	s7 =	ssub.s32 $0x2, s7  }
0xa: {  	s31 =	sshll.u32 s0, $0x6;
	s28 =	sshrl.u32 s7, $0x1;
	s5 =	sadd.s32 s8, s5  }
0xb: {  	s8 =	sadd.s32 s26, s9;
	s29 =	sshrl.u32 s11, $0x2;
	s30 =	ssub.s32 s7, s28  }
0xc: {  	s5 =	sshrl.u32 s5, $0x3;
	s8 =	sadd.s32 s8, s6;
	s12 =	sadd.s32 s29, s3  }
0xd: {  	s10 =	sadd.s32 s5, s6;
	s5 =	sadd.s32 $0x16A00, s6;
	s6 =	sor.u32 $0x1C02, s31  }
0xe: {  	s7 =	sadd.s32 $0x19200, s8;
	s8 =	smax.u32 s30, $0x1;
	s11 =	sshrl.u32 s12, $0x3  }
0xf: {  	s12 =	simm.s32 $0x2;
	s9 =	sadd.s32 $0xCC00, s10;
	s10 =	sadd.s32 $0x2E00, s10  }
.LBB2_1:
0x10: {  	[spmem:s11], [sflag:s6] =	dma.local [hbm:s5], $0x2800  }
0x11: {  	_ =	swait.ge [sflag:s12], $0x2800  }
0x12: {  	[sflag:s12] =	ssyncset.done $0x0  }
0x13: {  	[sflag:s12] =	ssyncadd.s32 $0xFFFFD800  }
0x14: {  	s18 =	sadd.s32 $0x0, s10;
	[bflag:$0x0] =	sbarrier.arrive $0xFFFF  }
0x15: {  	[tilespmem:s4], [sflag:$0x2] =	stream.linear.gather [hbm4b:s18+s4], $0x50, $0x38;
	[tilespmem:$0x16900] =	vst v63  }
0x16: {  	_ =	swait.ge [sflag:s12], $0x50  }
0x17: {  	[sflag:s12] =	ssyncset.done $0x0  }
0x18: {  	s31 =	sadd.s32 $0x0, s9;
	[sflag:s12] =	ssyncadd.s32 $0xFFFFFFB0  }
0x19: {  	[tilespmem:s13], [sflag:$0x2] =	stream.linear.gather [hbm4b:s31+s4], $0x50, $0x38;
	[tilespmem:$0x16900] =	vst v63  }
0x1a: {  	_ =	swait.ge [sflag:s12], $0x50  }
0x1b: {  	[sflag:s12] =	ssyncset.done $0x0  }
0x1c: {  	[sflag:s12] =	ssyncadd.s32 $0xFFFFFFB0  }
0x1d: {  	[tilespmem:s15], [sflag:$0x1] =	stream.indirect.gather [hbm4b:s1+s14], $0x80, s4, s14, $0xb8;
	[tilespmem:$0x16900] =	vst v63  }
0x1e: {  	_ =	swait.ge [sflag:s16], $0x2800  }
0x1f: {  	[sflag:s16] =	ssyncset.done $0x0  }
0x20: {  	[sflag:s16] =	ssyncadd.s32 $0xFFFFD800  }
0x21: {  	[spmem:s3] =	stream.indirect.scatter.add.f32 [tilespmem:s15], [sflag:$0x2], $0x80, s13, s14, $0xb8;
	[tilespmem:$0x16900] =	vst v63  }
0x22: {  	_ =	swait.ge [sflag:s12], $0x2800  }
0x23: {  	s19 =	simm.s32 $0x14;
	s18 =	simm.s32 $0xA;
	[sflag:s12] =	ssyncset.done $0x0  }
.LBB2_2:
0x24: {  	s20 =	sadd.s32 s18, s10  }
0x25: {  	[sflag:s12] =	ssyncadd.s32 $0xFFFFD800;
	s21 =	smov.u32 s19;
	s22 =	sadd.s32 $0xA, s19  }
0x26: {  	[tilespmem:s4], [sflag:$0x2] =	stream.linear.gather [hbm4b:s20+s4], $0x50, $0x38;
	[tilespmem:$0x16900] =	vst v63  }
0x27: {  	p0 =	sne.s32 s19, $0x4D8;
	_ =	swait.ge [sflag:s12], $0x50  }
0x28: {  	[sflag:s12] =	ssyncset.done $0x0  }
0x29: {  	s19 =	sadd.s32 s18, s9;
	s18 =	smov.u32 s21;
	[sflag:s12] =	ssyncadd.s32 $0xFFFFFFB0  }
0x2a: {  	[tilespmem:s13], [sflag:$0x2] =	stream.linear.gather [hbm4b:s19+s4], $0x50, $0x38;
	[tilespmem:$0x16900] =	vst v63  }
0x2b: {  	_ =	swait.ge [sflag:s12], $0x50  }
0x2c: {  	[sflag:s12] =	ssyncset.done $0x0  }
0x2d: {  	[sflag:s12] =	ssyncadd.s32 $0xFFFFFFB0  }
0x2e: {  	[tilespmem:s15], [sflag:$0x1] =	stream.indirect.gather [hbm4b:s1+s14], $0x80, s4, s14, $0xb8;
	[tilespmem:$0x16900] =	vst v63  }
0x2f: {  	_ =	swait.ge [sflag:s16], $0x2800  }
.Ltmp0:
0x30: {  	[sflag:s16] =	ssyncset.done $0x0;
	(pc) =	sbr.rel @p0 .LBB2_2-.Ltmp0, $4  }
0x31: {  	[sflag:s16] =	ssyncadd.s32 $0xFFFFD800  }
0x32: {  	[spmem:s3] =	stream.indirect.scatter.add.f32 [tilespmem:s15], [sflag:$0x2], $0x80, s13, s14, $0xb8;
	[tilespmem:$0x16900] =	vst v63  }
0x33: {  	_ =	swait.ge [sflag:s12], $0x2800  }
0x34: {  	s19 =	smov.u32 s22;
	[sflag:s12] =	ssyncset.done $0x0  }
0x35: {  	s19 =	sadd.s32 s18, s10;
	[sflag:s12] =	ssyncadd.s32 $0xFFFFD800  }
0x36: {  	[tilespmem:s4], [sflag:$0x2] =	stream.linear.gather [hbm4b:s19+s4], $0x50, $0x38;
	[tilespmem:$0x16900] =	vst v63  }
0x37: {  	_ =	swait.ge [sflag:s12], $0x50  }
0x38: {  	[sflag:s12] =	ssyncset.done $0x0  }
0x39: {  	s31 =	sadd.s32 s18, s9;
	[sflag:s12] =	ssyncadd.s32 $0xFFFFFFB0  }
0x3a: {  	[tilespmem:s13], [sflag:$0x2] =	stream.linear.gather [hbm4b:s31+s4], $0x50, $0x38;
	[tilespmem:$0x16900] =	vst v63  }
0x3b: {  	_ =	swait.ge [sflag:s12], $0x50  }
0x3c: {  	[sflag:s12] =	ssyncset.done $0x0  }
0x3d: {  	[sflag:s12] =	ssyncadd.s32 $0xFFFFFFB0  }
0x3e: {  	[tilespmem:s15], [sflag:$0x1] =	stream.indirect.gather [hbm4b:s1+s14], $0x80, s4, s14, $0xb8;
	[tilespmem:$0x16900] =	vst v63  }
0x3f: {  	_ =	swait.ge [sflag:s16], $0x2800  }
0x40: {  	[sflag:s16] =	ssyncset.done $0x0  }
0x41: {  	[sflag:s16] =	ssyncadd.s32 $0xFFFFD800  }
0x42: {  	[spmem:s3] =	stream.indirect.scatter.add.f32 [tilespmem:s15], [sflag:$0x2], $0x80, s13, s14, $0xb8;
	[tilespmem:$0x16900] =	vst v63  }
0x43: {  	_ =	swait.ge [sflag:s12], $0x2800  }
0x44: {  	s17 =	sadd.s32 $0x1, s17;
	[sflag:s12] =	ssyncset.done $0x0  }
0x45: {  	p0 =	sne.s32 s17, s8;
	[sflag:s12] =	ssyncadd.s32 $0xFFFFD800  }
.Ltmp1:
0x46: {  	[bflag:$0x0] =	sbarrier.arrive $0xFFFF;
	(pc) =	sbr.rel @p0 .LBB2_1-.Ltmp1, $4  }
0x47: {  	[hbm:s7], [sflag:s6] =	dma.local [spmem:s11], $0x2800  }
0x48: {  	_ =	swait.ge [sflag:s12], $0x2800  }
0x49: {  	[sflag:s12] =	ssyncset.done $0x0  }
0x4a: {  	[sflag:s12] =	ssyncadd.s32 $0xFFFFD800  }
0x4b: {  	_ =	sfence.sel $0x180000  }
0x4c: {  	[bflag:$0x0] =	sbarrier.arrive $0xFFFF  }
0x4d: {  	p0 =	sne.s32 s0, $0x0;
	_ =	strace $0x9000004D  }
0x4e: {  	s0 =	sadd.s32 @!p0 $0x100000, s2;
	[bflag:$0x2] =	sbarrier.arrive $0xFFFF  }
0x4f: {  	[sflag:s0] =	ssyncadd.tile.s32 @!p0 $0x1;
	_ =	shalt  }
.Lfunc_end2:
_tile_overlayer_lowered:
.L_overlay_start_2:
0x50: {  	(tag) =	ssettag $0x2  }
0x51: {  	s0 =	rddreg [dreg:$0x0];
	s2 =	stileid.u32  }
0x52: {  	s1 =	rddreg [dreg:$0x1];
	p0 =	sne.s32 s2, $0x0  }
0x53: {  	s3 =	rddreg [dreg:$0x2];
	[bflag:$0x3] =	sbarrier.arrive $0xFFFF;
	s2 =	simm.s32 @!p0 $0x1C02  }
0x54: {  	[timem:s3], [sflag:s2] =	dma.local @!p0 [hbm:s0], s1  }
0x55: {  	s0 =	simm.s32 @!p0 $0x2  }
0x56: {  	_ =	swait.ge @!p0 [sflag:s0], s1  }
0x57: {  	s1 =	ssub.s32 @!p0 $0x0, s1;
	[sflag:s0] =	ssyncset.done @!p0 $0x0  }
0x58: {  	[sflag:s0] =	ssyncadd.s32 @!p0 s1  }
0x59: {  	[bflag:$0x3] =	sbarrier.arrive $0xFFFF  }
0x5a: {  	_ =	shalt  }

// kernel: kernel.21.cloned.1.call-start
scs
__scs_entry_jumppad:
0x0: {  	(pc) =	sbr.rel $0x88, $3  }
0x1: {  	(tag) =	ssettag $0x0;
	lr =	simm.s32 $0x1  }
0x2: {  	[smem:$0x3F99] =	sst lr;
	_ =	strace $0xD0000000  }
0x3: {  	_ = 	snop  }
0x4: {  	_ = 	snop  }
0x5: {  	_ = 	snop  }
0x6: {  	_ = 	snop  }
0x7: {  	_ = 	snop  }
__scs_overlays_trampoline_lowered:
0x8: {  	[smem:$0x3FA8] =	sst s0  }
0x9: {  	[smem:$0x3FA9] =	sst s1  }
0xa: {  	[smem:$0x3FAA] =	sst s2  }
0xb: {  	[smem:$0x3FAB] =	sst s3  }
0xc: {  	[smem:$0x3FAC] =	sst s4  }
0xd: {  	[smem:$0x3FAD] =	sst s5  }
0xe: {  	[smem:$0x3FAE] =	sst s6  }
0xf: {  	[smem:$0x3FAF] =	sst s7  }
0x10: {  	[smem:$0x3FB0] =	sst s8  }
0x11: {  	[smem:$0x3FB1] =	sst s9;
	s0 =	simm.s32 @!p0 $0x0  }
0x12: {  	s1 =	sld [smem:$0x3F97];
	s0 =	simm.s32 @p0 $0x1  }
0x13: {  	[smem:$0x3FB2] =	sst s0;
	s0 =	simm.s32 @!p1 $0x0  }
0x14: {  	s2 =	sld [smem:$0x3F96];
	s0 =	simm.s32 @p1 $0x1  }
0x15: {  	[smem:$0x3FB3] =	sst s0;
	s0 =	simm.s32 @!p2 $0x0  }
0x16: {  	s3 =	sld [smem:$0x3FDB];
	s0 =	simm.s32 @p2 $0x1  }
0x17: {  	s4 =	simm.s32 $0x1BF5;
	[smem:$0x3FB5] =	sst s0  }
0x18: {  	s0 =	sld [smem:$0x3F98];
	_ =	swait.ge [sflag:s4], $0x0  }
0x19: {  	s7 =	sld [smem:$0x3F99]  }
0x1a: {  	s8 =	sadd.s32 $0xFFFFE003, lr  }
0x1b: {  	s9 =	sadd.s32 $0xFFFFFEF7, lr;
	s5 =	simm.s32 $0xFFFFFFFF;
	p2 =	slt.u32 s8, $0xFFFFF086  }
0x1c: {  	p1 =	slt.u32 s9, $0xF7A;
	s5 =	simm.s32 @!p2 $0x0  }
0x1d: {  	s5 =	simm.s32 @p1 $0x1;
	p0 =	seq.s32 s7, s2  }
0x1e: {  	s7 =	smul.u32 @!p0 $0xF7A, s2;
	p2 =	seq.s32 @!p0 s5, $0x0  }
0x1f: {  	s9 =	smul.u32 $0xF7A, s1;
	s8 =	simm.s32 @!p0 $0x1BF5;
	p2 =	por !p2, p0  }
0x20: {  	[sflag:s8] =	ssyncset.s32 @!p0 $0xFFFFF086;
	s6 =	sadd.s32 @!p0 s3, s7;
	s7 =	simm.s32 @!p0 $0x108  }
0x21: {  	s3 =	sadd.s32 s3, s9;
	s6 =	sadd.s32 @!p0 $0x88, s6;
	s7 =	simm.s32 @p2 $0x1082  }
0x22: {  	[simem:s7], [sflag:s8] =	dma.local @!p0 [hbm:s6], $0xF7A  }
0x23: {  	s9 =	sor.u32 $0xD0000000, s2;
	s6 =	simm.s32 $0x108;
	_ =	swait.ge @!p0 [sflag:s8], $0x0  }
0x24: {  	s3 =	sadd.s32 $0x88, s3;
	s6 =	simm.s32 @!p1 $0x1082;
	[sflag:s4] =	ssyncset.s32 $0xFFFFF086  }
0x25: {  	[simem:s6], [sflag:s4] =	dma.local [hbm:s3], $0xF7A  }
0x26: {  	[smem:$0x3F99] =	sst s1;
	(tag) =	ssettag s2;
	_ =	strace s9  }
0x27: {  	s1 =	sld [smem:$0x3FA9]  }
0x28: {  	s2 =	sld [smem:$0x3FAA]  }
0x29: {  	s4 =	sld [smem:$0x3FAC]  }
0x2a: {  	p0 =	seq.s32 s5, $0x0;
	s5 =	sld [smem:$0x3FAD]  }
0x2b: {  	s6 =	sld [smem:$0x3FAE]  }
0x2c: {  	s7 =	sld [smem:$0x3FAF]  }
0x2d: {  	s3 =	simm.s32 $0x108;
	s8 =	sld [smem:$0x3FB0]  }
0x2e: {  	s3 =	simm.s32 @!p0 $0x1082;
	s9 =	sld [smem:$0x3FB1]  }
0x2f: {  	lr =	sadd.s32 s0, s3;
	s0 =	sld [smem:$0x3FA8]  }
0x30: {  	s3 =	sld [smem:$0x3FAB]  }
0x31: {  	[smem:$0x3FB4] =	sst s10  }
0x32: {  	s10 =	sld [smem:$0x3FB2];
	_ =	sdelay $0x3  }
0x33: {  	p0 =	seq.s32 s10, $0x1;
	s10 =	sld [smem:$0x3FB4];
	_ =	sdelay $0x3  }
0x34: {  	[smem:$0x3FB4] =	sst s10  }
0x35: {  	s10 =	sld [smem:$0x3FB3];
	_ =	sdelay $0x3  }
0x36: {  	p1 =	seq.s32 s10, $0x1;
	s10 =	sld [smem:$0x3FB4];
	_ =	sdelay $0x3  }
0x37: {  	[smem:$0x3FB4] =	sst s10  }
0x38: {  	s10 =	sld [smem:$0x3FB5]  }
0x39: {  	_ = 	snop;
	(pc) =	sbr.ind lr, $3  }
0x3a: {  	_ = 	snop  }
0x3b: {  	_ = 	snop  }
0x3c: {  	p2 =	seq.s32 s10, $0x1;
	s10 =	sld [smem:$0x3FB4]  }
0x3d: {  	_ =	shalt  }
0x3e: {  	_ =	shalt  }
0x3f: {  	_ =	shalt  }
0x40: {  	_ =	shalt  }
0x41: {  	_ =	shalt  }
0x42: {  	_ =	shalt  }
0x43: {  	_ =	shalt  }
0x44: {  	_ =	shalt  }
0x45: {  	_ =	shalt  }
0x46: {  	_ =	shalt  }
0x47: {  	_ =	shalt  }
0x48: {  	_ =	shalt  }
0x49: {  	_ =	shalt  }
0x4a: {  	_ =	shalt  }
0x4b: {  	_ =	shalt  }
0x4c: {  	_ =	shalt  }
0x4d: {  	_ =	shalt  }
0x4e: {  	_ =	shalt  }
0x4f: {  	_ =	shalt  }
0x50: {  	_ =	shalt  }
0x51: {  	_ =	shalt  }
0x52: {  	_ =	shalt  }
0x53: {  	_ =	shalt  }
0x54: {  	_ =	shalt  }
0x55: {  	_ =	shalt  }
0x56: {  	_ =	shalt  }
0x57: {  	_ =	shalt  }
0x58: {  	_ =	shalt  }
0x59: {  	_ =	shalt  }
0x5a: {  	_ =	shalt  }
0x5b: {  	_ =	shalt  }
0x5c: {  	_ =	shalt  }
0x5d: {  	_ =	shalt  }
0x5e: {  	_ =	shalt  }
0x5f: {  	_ =	shalt  }
0x60: {  	_ =	shalt  }
0x61: {  	_ =	shalt  }
0x62: {  	_ =	shalt  }
0x63: {  	_ =	shalt  }
0x64: {  	_ =	shalt  }
0x65: {  	_ =	shalt  }
0x66: {  	_ =	shalt  }
0x67: {  	_ =	shalt  }
0x68: {  	_ =	shalt  }
0x69: {  	_ =	shalt  }
0x6a: {  	_ =	shalt  }
0x6b: {  	_ =	shalt  }
0x6c: {  	_ =	shalt  }
0x6d: {  	_ =	shalt  }
0x6e: {  	_ =	shalt  }
0x6f: {  	_ =	shalt  }
0x70: {  	_ =	shalt  }
0x71: {  	_ =	shalt  }
0x72: {  	_ =	shalt  }
0x73: {  	_ =	shalt  }
0x74: {  	_ =	shalt  }
0x75: {  	_ =	shalt  }
0x76: {  	_ =	shalt  }
0x77: {  	_ =	shalt  }
0x78: {  	_ =	shalt  }
0x79: {  	_ =	shalt  }
0x7a: {  	_ =	shalt  }
0x7b: {  	_ =	shalt  }
0x7c: {  	_ =	shalt  }
0x7d: {  	_ =	shalt  }
0x7e: {  	_ =	shalt  }
0x7f: {  	_ =	shalt  }
0x80: {  	_ =	shalt  }
0x81: {  	_ =	shalt  }
0x82: {  	_ =	shalt  }
0x83: {  	_ =	shalt  }
0x84: {  	_ =	shalt  }
0x85: {  	_ =	shalt  }
0x86: {  	_ =	shalt  }
0x87: {  	_ =	shalt  }
.Lfunc_end0:
.L_simem_size_0:
called_computation.3_lowered:
.L_overlay_start_0:
0x88: {  	s2 =	sld [smem:$0x3FD9]  }
0x89: {  	s3 =	sld [smem:$0x3FFE];
	_ =	sdelay $0x1  }
0x8a: {  	s1 =	srdreg.scid  }
0x8b: {  	s0 =	sand.u32 $0x1, s1  }
0x8c: {  	s14 =	sshll.u32 s0, $0xA;
	s2 =	sadd.s32 s3, s2  }
0x8d: {  	s2 =	sadd.s32 s2, s14  }
0x8e: {  	[smem:$0x3FC0] =	sst s2  }
0x8f: {  	_ = 	snop  }
0x90: {  	s2 =	sld [smem:$0x3FD0];
	_ =	sdelay $0x2  }
0x91: {  	s15 =	simm.s32 $0xB;
	s4 =	simm.s32 $0x10  }
0x92: {  	[smem:s4], [sflag:s15] =	dma.local [hbm:s2], $0x1  }
0x93: {  	_ =	swait.eq [sflag:s15], $0x1  }
0x94: {  	[sflag:s15] =	ssyncset.done $0x0  }
0x95: {  	[sflag:s15] =	ssyncadd.s32 $0xFFFFFFFF  }
0x96: {  	s16 =	sld [smem:$0x11];
	(tm) =	ssettm $0x1  }
0x97: {  	s17 =	sld [smem:$0x3FFB];
	_ =	sdelay $0x3  }
0x98: {  	_ =	strace s17  }
0x99: {  	s3 =	sld [smem:$0x3FFC];
	_ =	sdelay $0x3  }
0x9a: {  	_ =	strace s3  }
0x9b: {  	s3 =	sld [smem:$0x3FFD];
	_ =	sdelay $0x3  }
0x9c: {  	_ =	strace s3  }
0x9d: {  	_ =	strace $0x8FFFFFFF  }
0x9e: {  	s18 =	sld [smem:$0x3FDB];
	_ =	sdelay $0x1  }
0x9f: {  	s19 =	simm.s32 $_scs_section_size  }
0xa0: {  	s5 =	simm.s32 $_size__tile_overlayer_lowered;
	s6 =	simm.s32 $_tile_overlayer_lowered  }
0xa1: {  	s22 =	simm.s32 $0x1BFF;
	s21 =	sshll.u32 s6, $0x1;
	s3 =	sadd.s32 s19, s18  }
0xa2: {  	s7 =	simm.s32 $0x0;
	s20 =	sshll.u32 s5, $0x1;
	s5 =	sadd.s32 s21, s3  }
0xa3: {  	[timem:s7], [sflag:s22] =	dma.local [hbm:s5], s20  }
0xa4: {  	_ =	swait.ge [sflag:s22], s20  }
0xa5: {  	s4 =	ssub.s32 $0x0, s20;
	[sflag:s22] =	ssyncset.done $0x0  }
0xa6: {  	[sflag:s22] =	ssyncadd.s32 s4;
	_ =	sdelay $0x1  }
0xa7: {  	s23 =	simm.s32 $0x1B8B  }
0xa8: {  	_ =	swait.ge [sflag:s23], $0x1  }
0xa9: {  	[sflag:s23] =	ssyncset.done $0x0  }
0xaa: {  	s25 =	simm.s32 $0x1B8E;
	s24 =	sld [smem:$0x3FFE];
	[sflag:s23] =	ssyncadd.s32 $0xFFFFFFFF  }
0xab: {  	s26 =	simm.s32 $execute0_lowered;
	[smem:$0x3FD2] =	sst s25  }
0xac: {  	s5 =	sshll.u32 s26, $0x1;
	_ =	strace $0x8000004F;
	[dreg:$0x1] =	wrdreg $0xFFFFFFFF  }
0xad: {  	s28 =	simm.s32 $_size_execute0_lowered;
	s3 =	sadd.s32 s3, s5;
	[dreg:$0x0] =	wrdreg $0x0  }
0xae: {  	s5 =	sshll.u32 s28, $0x1;
	[dreg:$0x2] =	wrdreg s3  }
0xaf: {  	[dreg:$0x3] =	wrdreg s5  }
0xb0: {  	[dreg:$0x4] =	wrdreg $0xC0  }
0xb1: {  	_ =	task [dreg:s7], $0x5FFFF  }
0xb2: {  	[dreg:$0x1] =	wrdreg $0xFFFFFFFF  }
0xb3: {  	[dreg:$0x0] =	wrdreg $0x60  }
0xb4: {  	[dreg:$0x2] =	wrdreg s16  }
0xb5: {  	[dreg:$0x3] =	wrdreg s24  }
0xb6: {  	[dreg:$0x4] =	wrdreg $0x29000  }
0xb7: {  	[dreg:$0x5] =	wrdreg $0x9  }
0xb8: {  	_ =	task.clear_ibuf [dreg:s7], $0x6FFFF;
	_ =	strace $0x9000004F  }
0xb9: {  	s29 =	simm.s32 $0x9;
	_ =	strace $0x80000051  }
0xba: {  	_ =	swait.ge [sflag:s29], $0x1  }
0xbb: {  	[sflag:s29] =	ssyncadd.s32 $0xFFFFFFFF  }
0xbc: {  	_ =	strace $0x90000051  }
0xbd: {  	_ =	sfence  }
0xbe: {  	s30 =	sld [smem:$0x0];
	_ =	sdelay $0x2  }
0xbf: {  	s31 =	sshll.u32 s1, $0xD;
	s1 =	sshrl.u32 s1, $0x2  }
0xc0: {  	s3 =	sand.u32 $0x4000, s31;
	s1 =	sadd.s32 s1, s30  }
0xc1: {  	s0 =	sor.u32 s3, s0;
	s1 =	sshll.u32 s1, $0x11  }
0xc2: {  	s0 =	sor.u32 s1, s0  }
0xc3: {  	s0 =	sadd.s32 $0x8F2B, s0  }
0xc4: {  	[sflag:s0] =	ssyncadd.remote.s32 $0x1  }
0xc5: {  	_ =	sfence.sel $0xFFFF  }
0xc6: {  	[dreg:$0x0] =	wrdreg $0xFFFFFFFF;
	(pc) =	sbr.abs _section_cstart, $3  }
0xc7: {  	[dreg:$0x1] =	wrdreg $0xFFFFFFFF  }
0xc8: {  	_ =	task.clear_ibuf [dreg:s7], $0x2FFFF;
	_ =	strace $0x9FFFFFFF  }
0xc9: {  	(tm) =	ssettm $0x7FFFFFFF  }
tec
execute0_lowered:
.L_overlay_start_1:
0x0: {  	(tag) =	ssettag $0x1  }
0x1: {  	s1 =	rddreg [dreg:$0x0]  }
0x2: {  	s6 =	rddreg [dreg:$0x1]  }
0x3: {  	s0 =	srdreg.scid;
	s3 =	rddreg [dreg:$0x2]  }
0x4: {  	s2 =	rddreg [dreg:$0x3];
	s7 =	sand.u32 $0x1, s0  }
0x5: {  	s4 =	simm.s32 $0x0;
	s0 =	stileid.u32;
	s5 =	smul.u32 $0x27100, s7  }
0x6: {  	s13 =	simm.s32 $0x80;
	s14 =	simm.s32 $0x50;
	s8 =	smul.u32 $0x2710, s0  }
0x7: {  	s15 =	simm.s32 $0x100;
	s16 =	simm.s32 $0x1;
	s26 =	smul.u32 $0x2800, s0  }
0x8: {  	s17 =	simm.s32 $0x0;
	[smem:$0x7FF] =	sst s4;
	s9 =	smul.u32 $0x28000, s7  }
0x9: {  	_ =	strace $0x80000050;
	s11 =	smul.u32 $0x50000, s0;
	s7 =	ssub.s32 $0x2, s7  }
0xa: {  	s31 =	sshll.u32 s0, $0x6;
	s28 =	sshrl.u32 s7, $0x1;
	s5 =	sadd.s32 s8, s5  }
0xb: {  	s8 =	sadd.s32 s26, s9;
	s29 =	sshrl.u32 s11, $0x2;
	s30 =	ssub.s32 s7, s28  }
0xc: {  	s5 =	sshrl.u32 s5, $0x3;
	s8 =	sadd.s32 s8, s6;
	s12 =	sadd.s32 s29, s3  }
0xd: {  	s10 =	sadd.s32 s5, s6;
	s5 =	sadd.s32 $0x16A00, s6;
	s6 =	sor.u32 $0x1C02, s31  }
0xe: {  	s7 =	sadd.s32 $0x19200, s8;
	s8 =	smax.u32 s30, $0x1;
	s11 =	sshrl.u32 s12, $0x3  }
0xf: {  	s12 =	simm.s32 $0x2;
	s9 =	sadd.s32 $0x2E00, s10;
	s10 =	sadd.s32 $0xCC00, s10  }
.LBB2_1:
0x10: {  	[spmem:s11], [sflag:s6] =	dma.local [hbm:s5], $0x2800  }
0x11: {  	_ =	swait.ge [sflag:s12], $0x2800  }
0x12: {  	[sflag:s12] =	ssyncset.done $0x0  }
0x13: {  	[sflag:s12] =	ssyncadd.s32 $0xFFFFD800  }
0x14: {  	s18 =	sadd.s32 $0x0, s10;
	[bflag:$0x0] =	sbarrier.arrive $0xFFFF  }
0x15: {  	[tilespmem:s4], [sflag:$0x2] =	stream.linear.gather [hbm4b:s18+s4], $0x50, $0x38;
	[tilespmem:$0x16900] =	vst v63  }
0x16: {  	_ =	swait.ge [sflag:s12], $0x50  }
0x17: {  	[sflag:s12] =	ssyncset.done $0x0  }
0x18: {  	s31 =	sadd.s32 $0x0, s9;
	[sflag:s12] =	ssyncadd.s32 $0xFFFFFFB0  }
0x19: {  	[tilespmem:s13], [sflag:$0x2] =	stream.linear.gather [hbm4b:s31+s4], $0x50, $0x38;
	[tilespmem:$0x16900] =	vst v63  }
0x1a: {  	_ =	swait.ge [sflag:s12], $0x50  }
0x1b: {  	[sflag:s12] =	ssyncset.done $0x0  }
0x1c: {  	[sflag:s12] =	ssyncadd.s32 $0xFFFFFFB0  }
0x1d: {  	[tilespmem:s15], [sflag:$0x1] =	stream.indirect.gather [hbm4b:s1+s14], $0x80, s4, s14, $0xb8;
	[tilespmem:$0x16900] =	vst v63  }
0x1e: {  	_ =	swait.ge [sflag:s16], $0x2800  }
0x1f: {  	[sflag:s16] =	ssyncset.done $0x0  }
0x20: {  	[sflag:s16] =	ssyncadd.s32 $0xFFFFD800  }
0x21: {  	[spmem:s3] =	stream.indirect.scatter.add.f32 [tilespmem:s15], [sflag:$0x2], $0x80, s13, s14, $0xb8;
	[tilespmem:$0x16900] =	vst v63  }
0x22: {  	_ =	swait.ge [sflag:s12], $0x2800  }
0x23: {  	s19 =	simm.s32 $0x14;
	s18 =	simm.s32 $0xA;
	[sflag:s12] =	ssyncset.done $0x0  }
.LBB2_2:
0x24: {  	s20 =	sadd.s32 s18, s10  }
0x25: {  	[sflag:s12] =	ssyncadd.s32 $0xFFFFD800;
	s21 =	smov.u32 s19;
	s22 =	sadd.s32 $0xA, s19  }
0x26: {  	[tilespmem:s4], [sflag:$0x2] =	stream.linear.gather [hbm4b:s20+s4], $0x50, $0x38;
	[tilespmem:$0x16900] =	vst v63  }
0x27: {  	p0 =	sne.s32 s19, $0x4D8;
	_ =	swait.ge [sflag:s12], $0x50  }
0x28: {  	[sflag:s12] =	ssyncset.done $0x0  }
0x29: {  	s19 =	sadd.s32 s18, s9;
	s18 =	smov.u32 s21;
	[sflag:s12] =	ssyncadd.s32 $0xFFFFFFB0  }
0x2a: {  	[tilespmem:s13], [sflag:$0x2] =	stream.linear.gather [hbm4b:s19+s4], $0x50, $0x38;
	[tilespmem:$0x16900] =	vst v63  }
0x2b: {  	_ =	swait.ge [sflag:s12], $0x50  }
0x2c: {  	[sflag:s12] =	ssyncset.done $0x0  }
0x2d: {  	[sflag:s12] =	ssyncadd.s32 $0xFFFFFFB0  }
0x2e: {  	[tilespmem:s15], [sflag:$0x1] =	stream.indirect.gather [hbm4b:s1+s14], $0x80, s4, s14, $0xb8;
	[tilespmem:$0x16900] =	vst v63  }
0x2f: {  	_ =	swait.ge [sflag:s16], $0x2800  }
.Ltmp0:
0x30: {  	[sflag:s16] =	ssyncset.done $0x0;
	(pc) =	sbr.rel @p0 .LBB2_2-.Ltmp0, $4  }
0x31: {  	[sflag:s16] =	ssyncadd.s32 $0xFFFFD800  }
0x32: {  	[spmem:s3] =	stream.indirect.scatter.add.f32 [tilespmem:s15], [sflag:$0x2], $0x80, s13, s14, $0xb8;
	[tilespmem:$0x16900] =	vst v63  }
0x33: {  	_ =	swait.ge [sflag:s12], $0x2800  }
0x34: {  	s19 =	smov.u32 s22;
	[sflag:s12] =	ssyncset.done $0x0  }
0x35: {  	s19 =	sadd.s32 s18, s10;
	[sflag:s12] =	ssyncadd.s32 $0xFFFFD800  }
0x36: {  	[tilespmem:s4], [sflag:$0x2] =	stream.linear.gather [hbm4b:s19+s4], $0x50, $0x38;
	[tilespmem:$0x16900] =	vst v63  }
0x37: {  	_ =	swait.ge [sflag:s12], $0x50  }
0x38: {  	[sflag:s12] =	ssyncset.done $0x0  }
0x39: {  	s31 =	sadd.s32 s18, s9;
	[sflag:s12] =	ssyncadd.s32 $0xFFFFFFB0  }
0x3a: {  	[tilespmem:s13], [sflag:$0x2] =	stream.linear.gather [hbm4b:s31+s4], $0x50, $0x38;
	[tilespmem:$0x16900] =	vst v63  }
0x3b: {  	_ =	swait.ge [sflag:s12], $0x50  }
0x3c: {  	[sflag:s12] =	ssyncset.done $0x0  }
0x3d: {  	[sflag:s12] =	ssyncadd.s32 $0xFFFFFFB0  }
0x3e: {  	[tilespmem:s15], [sflag:$0x1] =	stream.indirect.gather [hbm4b:s1+s14], $0x80, s4, s14, $0xb8;
	[tilespmem:$0x16900] =	vst v63  }
0x3f: {  	_ =	swait.ge [sflag:s16], $0x2800  }
0x40: {  	[sflag:s16] =	ssyncset.done $0x0  }
0x41: {  	[sflag:s16] =	ssyncadd.s32 $0xFFFFD800  }
0x42: {  	[spmem:s3] =	stream.indirect.scatter.add.f32 [tilespmem:s15], [sflag:$0x2], $0x80, s13, s14, $0xb8;
	[tilespmem:$0x16900] =	vst v63  }
0x43: {  	_ =	swait.ge [sflag:s12], $0x2800  }
0x44: {  	s17 =	sadd.s32 $0x1, s17;
	[sflag:s12] =	ssyncset.done $0x0  }
0x45: {  	p0 =	sne.s32 s17, s8;
	[sflag:s12] =	ssyncadd.s32 $0xFFFFD800  }
.Ltmp1:
0x46: {  	[bflag:$0x0] =	sbarrier.arrive $0xFFFF;
	(pc) =	sbr.rel @p0 .LBB2_1-.Ltmp1, $4  }
0x47: {  	[hbm:s7], [sflag:s6] =	dma.local [spmem:s11], $0x2800  }
0x48: {  	_ =	swait.ge [sflag:s12], $0x2800  }
0x49: {  	[sflag:s12] =	ssyncset.done $0x0  }
0x4a: {  	[sflag:s12] =	ssyncadd.s32 $0xFFFFD800  }
0x4b: {  	_ =	sfence.sel $0x180000  }
0x4c: {  	[bflag:$0x0] =	sbarrier.arrive $0xFFFF  }
0x4d: {  	p0 =	sne.s32 s0, $0x0;
	_ =	strace $0x90000050  }
0x4e: {  	s0 =	sadd.s32 @!p0 $0x100000, s2;
	[bflag:$0x2] =	sbarrier.arrive $0xFFFF  }
0x4f: {  	[sflag:s0] =	ssyncadd.tile.s32 @!p0 $0x1;
	_ =	shalt  }
.Lfunc_end2:
_tile_overlayer_lowered:
.L_overlay_start_2:
0x50: {  	(tag) =	ssettag $0x2  }
0x51: {  	s0 =	rddreg [dreg:$0x0];
	s2 =	stileid.u32  }
0x52: {  	s1 =	rddreg [dreg:$0x1];
	p0 =	sne.s32 s2, $0x0  }
0x53: {  	s3 =	rddreg [dreg:$0x2];
	[bflag:$0x3] =	sbarrier.arrive $0xFFFF;
	s2 =	simm.s32 @!p0 $0x1C02  }
0x54: {  	[timem:s3], [sflag:s2] =	dma.local @!p0 [hbm:s0], s1  }
0x55: {  	s0 =	simm.s32 @!p0 $0x2  }
0x56: {  	_ =	swait.ge @!p0 [sflag:s0], s1  }
0x57: {  	s1 =	ssub.s32 @!p0 $0x0, s1;
	[sflag:s0] =	ssyncset.done @!p0 $0x0  }
0x58: {  	[sflag:s0] =	ssyncadd.s32 @!p0 s1  }
0x59: {  	[bflag:$0x3] =	sbarrier.arrive $0xFFFF  }
0x5a: {  	_ =	shalt  }

// kernel: kernel.24.cloned.1.call-start
scs
__scs_entry_jumppad:
0x0: {  	(pc) =	sbr.rel $0x88, $3  }
0x1: {  	(tag) =	ssettag $0x0;
	lr =	simm.s32 $0x1  }
0x2: {  	[smem:$0x3F99] =	sst lr;
	_ =	strace $0xD0000000  }
0x3: {  	_ = 	snop  }
0x4: {  	_ = 	snop  }
0x5: {  	_ = 	snop  }
0x6: {  	_ = 	snop  }
0x7: {  	_ = 	snop  }
__scs_overlays_trampoline_lowered:
0x8: {  	[smem:$0x3FA8] =	sst s0  }
0x9: {  	[smem:$0x3FA9] =	sst s1  }
0xa: {  	[smem:$0x3FAA] =	sst s2  }
0xb: {  	[smem:$0x3FAB] =	sst s3  }
0xc: {  	[smem:$0x3FAC] =	sst s4  }
0xd: {  	[smem:$0x3FAD] =	sst s5  }
0xe: {  	[smem:$0x3FAE] =	sst s6  }
0xf: {  	[smem:$0x3FAF] =	sst s7  }
0x10: {  	[smem:$0x3FB0] =	sst s8  }
0x11: {  	[smem:$0x3FB1] =	sst s9;
	s0 =	simm.s32 @!p0 $0x0  }
0x12: {  	s1 =	sld [smem:$0x3F97];
	s0 =	simm.s32 @p0 $0x1  }
0x13: {  	[smem:$0x3FB2] =	sst s0;
	s0 =	simm.s32 @!p1 $0x0  }
0x14: {  	s2 =	sld [smem:$0x3F96];
	s0 =	simm.s32 @p1 $0x1  }
0x15: {  	[smem:$0x3FB3] =	sst s0;
	s0 =	simm.s32 @!p2 $0x0  }
0x16: {  	s3 =	sld [smem:$0x3FDB];
	s0 =	simm.s32 @p2 $0x1  }
0x17: {  	s4 =	simm.s32 $0x1BF5;
	[smem:$0x3FB5] =	sst s0  }
0x18: {  	s0 =	sld [smem:$0x3F98];
	_ =	swait.ge [sflag:s4], $0x0  }
0x19: {  	s7 =	sld [smem:$0x3F99]  }
0x1a: {  	s8 =	sadd.s32 $0xFFFFE003, lr  }
0x1b: {  	s9 =	sadd.s32 $0xFFFFFEF7, lr;
	s5 =	simm.s32 $0xFFFFFFFF;
	p2 =	slt.u32 s8, $0xFFFFF086  }
0x1c: {  	p1 =	slt.u32 s9, $0xF7A;
	s5 =	simm.s32 @!p2 $0x0  }
0x1d: {  	s5 =	simm.s32 @p1 $0x1;
	p0 =	seq.s32 s7, s2  }
0x1e: {  	s7 =	smul.u32 @!p0 $0xF7A, s2;
	p2 =	seq.s32 @!p0 s5, $0x0  }
0x1f: {  	s9 =	smul.u32 $0xF7A, s1;
	s8 =	simm.s32 @!p0 $0x1BF5;
	p2 =	por !p2, p0  }
0x20: {  	[sflag:s8] =	ssyncset.s32 @!p0 $0xFFFFF086;
	s6 =	sadd.s32 @!p0 s3, s7;
	s7 =	simm.s32 @!p0 $0x108  }
0x21: {  	s3 =	sadd.s32 s3, s9;
	s6 =	sadd.s32 @!p0 $0x88, s6;
	s7 =	simm.s32 @p2 $0x1082  }
0x22: {  	[simem:s7], [sflag:s8] =	dma.local @!p0 [hbm:s6], $0xF7A  }
0x23: {  	s9 =	sor.u32 $0xD0000000, s2;
	s6 =	simm.s32 $0x108;
	_ =	swait.ge @!p0 [sflag:s8], $0x0  }
0x24: {  	s3 =	sadd.s32 $0x88, s3;
	s6 =	simm.s32 @!p1 $0x1082;
	[sflag:s4] =	ssyncset.s32 $0xFFFFF086  }
0x25: {  	[simem:s6], [sflag:s4] =	dma.local [hbm:s3], $0xF7A  }
0x26: {  	[smem:$0x3F99] =	sst s1;
	(tag) =	ssettag s2;
	_ =	strace s9  }
0x27: {  	s1 =	sld [smem:$0x3FA9]  }
0x28: {  	s2 =	sld [smem:$0x3FAA]  }
0x29: {  	s4 =	sld [smem:$0x3FAC]  }
0x2a: {  	p0 =	seq.s32 s5, $0x0;
	s5 =	sld [smem:$0x3FAD]  }
0x2b: {  	s6 =	sld [smem:$0x3FAE]  }
0x2c: {  	s7 =	sld [smem:$0x3FAF]  }
0x2d: {  	s3 =	simm.s32 $0x108;
	s8 =	sld [smem:$0x3FB0]  }
0x2e: {  	s3 =	simm.s32 @!p0 $0x1082;
	s9 =	sld [smem:$0x3FB1]  }
0x2f: {  	lr =	sadd.s32 s0, s3;
	s0 =	sld [smem:$0x3FA8]  }
0x30: {  	s3 =	sld [smem:$0x3FAB]  }
0x31: {  	[smem:$0x3FB4] =	sst s10  }
0x32: {  	s10 =	sld [smem:$0x3FB2];
	_ =	sdelay $0x3  }
0x33: {  	p0 =	seq.s32 s10, $0x1;
	s10 =	sld [smem:$0x3FB4];
	_ =	sdelay $0x3  }
0x34: {  	[smem:$0x3FB4] =	sst s10  }
0x35: {  	s10 =	sld [smem:$0x3FB3];
	_ =	sdelay $0x3  }
0x36: {  	p1 =	seq.s32 s10, $0x1;
	s10 =	sld [smem:$0x3FB4];
	_ =	sdelay $0x3  }
0x37: {  	[smem:$0x3FB4] =	sst s10  }
0x38: {  	s10 =	sld [smem:$0x3FB5]  }
0x39: {  	_ = 	snop;
	(pc) =	sbr.ind lr, $3  }
0x3a: {  	_ = 	snop  }
0x3b: {  	_ = 	snop  }
0x3c: {  	p2 =	seq.s32 s10, $0x1;
	s10 =	sld [smem:$0x3FB4]  }
0x3d: {  	_ =	shalt  }
0x3e: {  	_ =	shalt  }
0x3f: {  	_ =	shalt  }
0x40: {  	_ =	shalt  }
0x41: {  	_ =	shalt  }
0x42: {  	_ =	shalt  }
0x43: {  	_ =	shalt  }
0x44: {  	_ =	shalt  }
0x45: {  	_ =	shalt  }
0x46: {  	_ =	shalt  }
0x47: {  	_ =	shalt  }
0x48: {  	_ =	shalt  }
0x49: {  	_ =	shalt  }
0x4a: {  	_ =	shalt  }
0x4b: {  	_ =	shalt  }
0x4c: {  	_ =	shalt  }
0x4d: {  	_ =	shalt  }
0x4e: {  	_ =	shalt  }
0x4f: {  	_ =	shalt  }
0x50: {  	_ =	shalt  }
0x51: {  	_ =	shalt  }
0x52: {  	_ =	shalt  }
0x53: {  	_ =	shalt  }
0x54: {  	_ =	shalt  }
0x55: {  	_ =	shalt  }
0x56: {  	_ =	shalt  }
0x57: {  	_ =	shalt  }
0x58: {  	_ =	shalt  }
0x59: {  	_ =	shalt  }
0x5a: {  	_ =	shalt  }
0x5b: {  	_ =	shalt  }
0x5c: {  	_ =	shalt  }
0x5d: {  	_ =	shalt  }
0x5e: {  	_ =	shalt  }
0x5f: {  	_ =	shalt  }
0x60: {  	_ =	shalt  }
0x61: {  	_ =	shalt  }
0x62: {  	_ =	shalt  }
0x63: {  	_ =	shalt  }
0x64: {  	_ =	shalt  }
0x65: {  	_ =	shalt  }
0x66: {  	_ =	shalt  }
0x67: {  	_ =	shalt  }
0x68: {  	_ =	shalt  }
0x69: {  	_ =	shalt  }
0x6a: {  	_ =	shalt  }
0x6b: {  	_ =	shalt  }
0x6c: {  	_ =	shalt  }
0x6d: {  	_ =	shalt  }
0x6e: {  	_ =	shalt  }
0x6f: {  	_ =	shalt  }
0x70: {  	_ =	shalt  }
0x71: {  	_ =	shalt  }
0x72: {  	_ =	shalt  }
0x73: {  	_ =	shalt  }
0x74: {  	_ =	shalt  }
0x75: {  	_ =	shalt  }
0x76: {  	_ =	shalt  }
0x77: {  	_ =	shalt  }
0x78: {  	_ =	shalt  }
0x79: {  	_ =	shalt  }
0x7a: {  	_ =	shalt  }
0x7b: {  	_ =	shalt  }
0x7c: {  	_ =	shalt  }
0x7d: {  	_ =	shalt  }
0x7e: {  	_ =	shalt  }
0x7f: {  	_ =	shalt  }
0x80: {  	_ =	shalt  }
0x81: {  	_ =	shalt  }
0x82: {  	_ =	shalt  }
0x83: {  	_ =	shalt  }
0x84: {  	_ =	shalt  }
0x85: {  	_ =	shalt  }
0x86: {  	_ =	shalt  }
0x87: {  	_ =	shalt  }
.Lfunc_end0:
.L_simem_size_0:
called_computation.4_lowered:
.L_overlay_start_0:
0x88: {  	s2 =	sld [smem:$0x3FD9]  }
0x89: {  	s3 =	sld [smem:$0x3FFE];
	_ =	sdelay $0x1  }
0x8a: {  	s1 =	srdreg.scid  }
0x8b: {  	s0 =	sand.u32 $0x1, s1  }
0x8c: {  	s14 =	sshll.u32 s0, $0xA;
	s2 =	sadd.s32 s3, s2  }
0x8d: {  	s2 =	sadd.s32 s2, s14  }
0x8e: {  	[smem:$0x3FC0] =	sst s2  }
0x8f: {  	_ = 	snop  }
0x90: {  	s2 =	sld [smem:$0x3FD0];
	_ =	sdelay $0x2  }
0x91: {  	s15 =	simm.s32 $0xB;
	s4 =	simm.s32 $0x10  }
0x92: {  	[smem:s4], [sflag:s15] =	dma.local [hbm:s2], $0x1  }
0x93: {  	_ =	swait.eq [sflag:s15], $0x1  }
0x94: {  	[sflag:s15] =	ssyncset.done $0x0  }
0x95: {  	[sflag:s15] =	ssyncadd.s32 $0xFFFFFFFF  }
0x96: {  	s16 =	sld [smem:$0x11];
	(tm) =	ssettm $0x1  }
0x97: {  	s17 =	sld [smem:$0x3FFB];
	_ =	sdelay $0x3  }
0x98: {  	_ =	strace s17  }
0x99: {  	s3 =	sld [smem:$0x3FFC];
	_ =	sdelay $0x3  }
0x9a: {  	_ =	strace s3  }
0x9b: {  	s3 =	sld [smem:$0x3FFD];
	_ =	sdelay $0x3  }
0x9c: {  	_ =	strace s3  }
0x9d: {  	_ =	strace $0x8FFFFFFF  }
0x9e: {  	s18 =	sld [smem:$0x3FDB];
	_ =	sdelay $0x1  }
0x9f: {  	s19 =	simm.s32 $_scs_section_size  }
0xa0: {  	s5 =	simm.s32 $_size__tile_overlayer_lowered;
	s6 =	simm.s32 $_tile_overlayer_lowered  }
0xa1: {  	s22 =	simm.s32 $0x1BFF;
	s21 =	sshll.u32 s6, $0x1;
	s3 =	sadd.s32 s19, s18  }
0xa2: {  	s7 =	simm.s32 $0x0;
	s20 =	sshll.u32 s5, $0x1;
	s5 =	sadd.s32 s21, s3  }
0xa3: {  	[timem:s7], [sflag:s22] =	dma.local [hbm:s5], s20  }
0xa4: {  	_ =	swait.ge [sflag:s22], s20  }
0xa5: {  	s4 =	ssub.s32 $0x0, s20;
	[sflag:s22] =	ssyncset.done $0x0  }
0xa6: {  	[sflag:s22] =	ssyncadd.s32 s4;
	_ =	sdelay $0x1  }
0xa7: {  	s23 =	simm.s32 $0x1B8B  }
0xa8: {  	_ =	swait.ge [sflag:s23], $0x1  }
0xa9: {  	[sflag:s23] =	ssyncset.done $0x0  }
0xaa: {  	s25 =	simm.s32 $0x1B8E;
	s24 =	sld [smem:$0x3FFE];
	[sflag:s23] =	ssyncadd.s32 $0xFFFFFFFF  }
0xab: {  	s26 =	simm.s32 $execute0_lowered;
	[smem:$0x3FD2] =	sst s25  }
0xac: {  	s5 =	sshll.u32 s26, $0x1;
	_ =	strace $0x80000052;
	[dreg:$0x1] =	wrdreg $0xFFFFFFFF  }
0xad: {  	s28 =	simm.s32 $_size_execute0_lowered;
	s3 =	sadd.s32 s3, s5;
	[dreg:$0x0] =	wrdreg $0x0  }
0xae: {  	s5 =	sshll.u32 s28, $0x1;
	[dreg:$0x2] =	wrdreg s3  }
0xaf: {  	[dreg:$0x3] =	wrdreg s5  }
0xb0: {  	[dreg:$0x4] =	wrdreg $0xC0  }
0xb1: {  	_ =	task [dreg:s7], $0x5FFFF  }
0xb2: {  	[dreg:$0x1] =	wrdreg $0xFFFFFFFF  }
0xb3: {  	[dreg:$0x0] =	wrdreg $0x60  }
0xb4: {  	[dreg:$0x2] =	wrdreg s16  }
0xb5: {  	[dreg:$0x3] =	wrdreg s24  }
0xb6: {  	[dreg:$0x4] =	wrdreg $0x29000  }
0xb7: {  	[dreg:$0x5] =	wrdreg $0x9  }
0xb8: {  	_ =	task.clear_ibuf [dreg:s7], $0x6FFFF;
	_ =	strace $0x90000052  }
0xb9: {  	s29 =	simm.s32 $0x9;
	_ =	strace $0x80000054  }
0xba: {  	_ =	swait.ge [sflag:s29], $0x1  }
0xbb: {  	[sflag:s29] =	ssyncadd.s32 $0xFFFFFFFF  }
0xbc: {  	_ =	strace $0x90000054  }
0xbd: {  	_ =	sfence  }
0xbe: {  	s30 =	sld [smem:$0x0];
	_ =	sdelay $0x2  }
0xbf: {  	s31 =	sshll.u32 s1, $0xD;
	s1 =	sshrl.u32 s1, $0x2  }
0xc0: {  	s3 =	sand.u32 $0x4000, s31;
	s1 =	sadd.s32 s1, s30  }
0xc1: {  	s0 =	sor.u32 s3, s0;
	s1 =	sshll.u32 s1, $0x11  }
0xc2: {  	s0 =	sor.u32 s1, s0  }
0xc3: {  	s0 =	sadd.s32 $0x8F2B, s0  }
0xc4: {  	[sflag:s0] =	ssyncadd.remote.s32 $0x1  }
0xc5: {  	_ =	sfence.sel $0xFFFF  }
0xc6: {  	[dreg:$0x0] =	wrdreg $0xFFFFFFFF;
	(pc) =	sbr.abs _section_cstart, $3  }
0xc7: {  	[dreg:$0x1] =	wrdreg $0xFFFFFFFF  }
0xc8: {  	_ =	task.clear_ibuf [dreg:s7], $0x2FFFF;
	_ =	strace $0x9FFFFFFF  }
0xc9: {  	(tm) =	ssettm $0x7FFFFFFF  }
tec
execute0_lowered:
.L_overlay_start_1:
0x0: {  	(tag) =	ssettag $0x1  }
0x1: {  	s1 =	rddreg [dreg:$0x0]  }
0x2: {  	s6 =	rddreg [dreg:$0x1]  }
0x3: {  	s0 =	srdreg.scid;
	s3 =	rddreg [dreg:$0x2]  }
0x4: {  	s2 =	rddreg [dreg:$0x3];
	s7 =	sand.u32 $0x1, s0  }
0x5: {  	s4 =	simm.s32 $0x0;
	s0 =	stileid.u32;
	s5 =	smul.u32 $0x27100, s7  }
0x6: {  	s13 =	simm.s32 $0x80;
	s14 =	simm.s32 $0x50;
	s8 =	smul.u32 $0x2710, s0  }
0x7: {  	s15 =	simm.s32 $0x100;
	s16 =	simm.s32 $0x1;
	s26 =	smul.u32 $0x2800, s0  }
0x8: {  	s17 =	simm.s32 $0x0;
	[smem:$0x7FF] =	sst s4;
	s9 =	smul.u32 $0x28000, s7  }
0x9: {  	_ =	strace $0x80000053;
	s11 =	smul.u32 $0x50000, s0;
	s7 =	ssub.s32 $0x2, s7  }
0xa: {  	s31 =	sshll.u32 s0, $0x6;
	s28 =	sshrl.u32 s7, $0x1;
	s5 =	sadd.s32 s8, s5  }
0xb: {  	s8 =	sadd.s32 s26, s9;
	s29 =	sshrl.u32 s11, $0x2;
	s30 =	ssub.s32 s7, s28  }
0xc: {  	s5 =	sshrl.u32 s5, $0x3;
	s8 =	sadd.s32 s8, s6;
	s12 =	sadd.s32 s29, s3  }
0xd: {  	s10 =	sadd.s32 s5, s6;
	s5 =	sadd.s32 $0x16A00, s6;
	s6 =	sor.u32 $0x1C02, s31  }
0xe: {  	s7 =	sadd.s32 $0x19200, s8;
	s8 =	smax.u32 s30, $0x1;
	s11 =	sshrl.u32 s12, $0x3  }
0xf: {  	s12 =	simm.s32 $0x2;
	s9 =	sadd.s32 $0xCC00, s10;
	s10 =	sadd.s32 $0x2E00, s10  }
.LBB2_1:
0x10: {  	[spmem:s11], [sflag:s6] =	dma.local [hbm:s5], $0x2800  }
0x11: {  	_ =	swait.ge [sflag:s12], $0x2800  }
0x12: {  	[sflag:s12] =	ssyncset.done $0x0  }
0x13: {  	[sflag:s12] =	ssyncadd.s32 $0xFFFFD800  }
0x14: {  	s18 =	sadd.s32 $0x0, s10;
	[bflag:$0x0] =	sbarrier.arrive $0xFFFF  }
0x15: {  	[tilespmem:s4], [sflag:$0x2] =	stream.linear.gather [hbm4b:s18+s4], $0x50, $0x38;
	[tilespmem:$0x16900] =	vst v63  }
0x16: {  	_ =	swait.ge [sflag:s12], $0x50  }
0x17: {  	[sflag:s12] =	ssyncset.done $0x0  }
0x18: {  	s31 =	sadd.s32 $0x0, s9;
	[sflag:s12] =	ssyncadd.s32 $0xFFFFFFB0  }
0x19: {  	[tilespmem:s13], [sflag:$0x2] =	stream.linear.gather [hbm4b:s31+s4], $0x50, $0x38;
	[tilespmem:$0x16900] =	vst v63  }
0x1a: {  	_ =	swait.ge [sflag:s12], $0x50  }
0x1b: {  	[sflag:s12] =	ssyncset.done $0x0  }
0x1c: {  	[sflag:s12] =	ssyncadd.s32 $0xFFFFFFB0  }
0x1d: {  	[tilespmem:s15], [sflag:$0x1] =	stream.indirect.gather [hbm4b:s1+s14], $0x80, s4, s14, $0xb8;
	[tilespmem:$0x16900] =	vst v63  }
0x1e: {  	_ =	swait.ge [sflag:s16], $0x2800  }
0x1f: {  	[sflag:s16] =	ssyncset.done $0x0  }
0x20: {  	[sflag:s16] =	ssyncadd.s32 $0xFFFFD800  }
0x21: {  	[spmem:s3] =	stream.indirect.scatter.add.f32 [tilespmem:s15], [sflag:$0x2], $0x80, s13, s14, $0xb8;
	[tilespmem:$0x16900] =	vst v63  }
0x22: {  	_ =	swait.ge [sflag:s12], $0x2800  }
0x23: {  	s19 =	simm.s32 $0x14;
	s18 =	simm.s32 $0xA;
	[sflag:s12] =	ssyncset.done $0x0  }
.LBB2_2:
0x24: {  	s20 =	sadd.s32 s18, s10  }
0x25: {  	[sflag:s12] =	ssyncadd.s32 $0xFFFFD800;
	s21 =	smov.u32 s19;
	s22 =	sadd.s32 $0xA, s19  }
0x26: {  	[tilespmem:s4], [sflag:$0x2] =	stream.linear.gather [hbm4b:s20+s4], $0x50, $0x38;
	[tilespmem:$0x16900] =	vst v63  }
0x27: {  	p0 =	sne.s32 s19, $0x4D8;
	_ =	swait.ge [sflag:s12], $0x50  }
0x28: {  	[sflag:s12] =	ssyncset.done $0x0  }
0x29: {  	s19 =	sadd.s32 s18, s9;
	s18 =	smov.u32 s21;
	[sflag:s12] =	ssyncadd.s32 $0xFFFFFFB0  }
0x2a: {  	[tilespmem:s13], [sflag:$0x2] =	stream.linear.gather [hbm4b:s19+s4], $0x50, $0x38;
	[tilespmem:$0x16900] =	vst v63  }
0x2b: {  	_ =	swait.ge [sflag:s12], $0x50  }
0x2c: {  	[sflag:s12] =	ssyncset.done $0x0  }
0x2d: {  	[sflag:s12] =	ssyncadd.s32 $0xFFFFFFB0  }
0x2e: {  	[tilespmem:s15], [sflag:$0x1] =	stream.indirect.gather [hbm4b:s1+s14], $0x80, s4, s14, $0xb8;
	[tilespmem:$0x16900] =	vst v63  }
0x2f: {  	_ =	swait.ge [sflag:s16], $0x2800  }
.Ltmp0:
0x30: {  	[sflag:s16] =	ssyncset.done $0x0;
	(pc) =	sbr.rel @p0 .LBB2_2-.Ltmp0, $4  }
0x31: {  	[sflag:s16] =	ssyncadd.s32 $0xFFFFD800  }
0x32: {  	[spmem:s3] =	stream.indirect.scatter.add.f32 [tilespmem:s15], [sflag:$0x2], $0x80, s13, s14, $0xb8;
	[tilespmem:$0x16900] =	vst v63  }
0x33: {  	_ =	swait.ge [sflag:s12], $0x2800  }
0x34: {  	s19 =	smov.u32 s22;
	[sflag:s12] =	ssyncset.done $0x0  }
0x35: {  	s19 =	sadd.s32 s18, s10;
	[sflag:s12] =	ssyncadd.s32 $0xFFFFD800  }
0x36: {  	[tilespmem:s4], [sflag:$0x2] =	stream.linear.gather [hbm4b:s19+s4], $0x50, $0x38;
	[tilespmem:$0x16900] =	vst v63  }
0x37: {  	_ =	swait.ge [sflag:s12], $0x50  }
0x38: {  	[sflag:s12] =	ssyncset.done $0x0  }
0x39: {  	s31 =	sadd.s32 s18, s9;
	[sflag:s12] =	ssyncadd.s32 $0xFFFFFFB0  }
0x3a: {  	[tilespmem:s13], [sflag:$0x2] =	stream.linear.gather [hbm4b:s31+s4], $0x50, $0x38;
	[tilespmem:$0x16900] =	vst v63  }
0x3b: {  	_ =	swait.ge [sflag:s12], $0x50  }
0x3c: {  	[sflag:s12] =	ssyncset.done $0x0  }
0x3d: {  	[sflag:s12] =	ssyncadd.s32 $0xFFFFFFB0  }
0x3e: {  	[tilespmem:s15], [sflag:$0x1] =	stream.indirect.gather [hbm4b:s1+s14], $0x80, s4, s14, $0xb8;
	[tilespmem:$0x16900] =	vst v63  }
0x3f: {  	_ =	swait.ge [sflag:s16], $0x2800  }
0x40: {  	[sflag:s16] =	ssyncset.done $0x0  }
0x41: {  	[sflag:s16] =	ssyncadd.s32 $0xFFFFD800  }
0x42: {  	[spmem:s3] =	stream.indirect.scatter.add.f32 [tilespmem:s15], [sflag:$0x2], $0x80, s13, s14, $0xb8;
	[tilespmem:$0x16900] =	vst v63  }
0x43: {  	_ =	swait.ge [sflag:s12], $0x2800  }
0x44: {  	s17 =	sadd.s32 $0x1, s17;
	[sflag:s12] =	ssyncset.done $0x0  }
0x45: {  	p0 =	sne.s32 s17, s8;
	[sflag:s12] =	ssyncadd.s32 $0xFFFFD800  }
.Ltmp1:
0x46: {  	[bflag:$0x0] =	sbarrier.arrive $0xFFFF;
	(pc) =	sbr.rel @p0 .LBB2_1-.Ltmp1, $4  }
0x47: {  	[hbm:s7], [sflag:s6] =	dma.local [spmem:s11], $0x2800  }
0x48: {  	_ =	swait.ge [sflag:s12], $0x2800  }
0x49: {  	[sflag:s12] =	ssyncset.done $0x0  }
0x4a: {  	[sflag:s12] =	ssyncadd.s32 $0xFFFFD800  }
0x4b: {  	_ =	sfence.sel $0x180000  }
0x4c: {  	[bflag:$0x0] =	sbarrier.arrive $0xFFFF  }
0x4d: {  	p0 =	sne.s32 s0, $0x0;
	_ =	strace $0x90000053  }
0x4e: {  	s0 =	sadd.s32 @!p0 $0x100000, s2;
	[bflag:$0x2] =	sbarrier.arrive $0xFFFF  }
0x4f: {  	[sflag:s0] =	ssyncadd.tile.s32 @!p0 $0x1;
	_ =	shalt  }
.Lfunc_end2:
_tile_overlayer_lowered:
.L_overlay_start_2:
0x50: {  	(tag) =	ssettag $0x2  }
0x51: {  	s0 =	rddreg [dreg:$0x0];
	s2 =	stileid.u32  }
0x52: {  	s1 =	rddreg [dreg:$0x1];
	p0 =	sne.s32 s2, $0x0  }
0x53: {  	s3 =	rddreg [dreg:$0x2];
	[bflag:$0x3] =	sbarrier.arrive $0xFFFF;
	s2 =	simm.s32 @!p0 $0x1C02  }
0x54: {  	[timem:s3], [sflag:s2] =	dma.local @!p0 [hbm:s0], s1  }
0x55: {  	s0 =	simm.s32 @!p0 $0x2  }
0x56: {  	_ =	swait.ge @!p0 [sflag:s0], s1  }
0x57: {  	s1 =	ssub.s32 @!p0 $0x0, s1;
	[sflag:s0] =	ssyncset.done @!p0 $0x0  }
0x58: {  	[sflag:s0] =	ssyncadd.s32 @!p0 s1  }
0x59: {  	[bflag:$0x3] =	sbarrier.arrive $0xFFFF  }
0x5a: {  	_ =	shalt  }

</sc_bundles>
